<compile_context>
chip_gen: v7x
topology: tpu7x:2x2x1
jax: 0.10.2.dev20260603
libtpu: 0.0.44.dev20260713+nightly
codegen_flags: <defaults>
</compile_context>

<pallas_src>
import functools

import jax
import jax.numpy as jnp
from jax import lax
from jax.experimental import pallas as pl
from jax.experimental.pallas import tpu as pltpu
from jax.experimental.pallas import tpu_sc as plsc

N_NODES = 10000
N_EDGES = 320000
D = 128

NC = 2
NS = 16
NW = NC * NS
CH = 128
NCHUNK = 80
HC = 40
EPT = NCHUNK * CH
E_PAD = NW * EPT
N_ACC = 10240
RPT = N_ACC // NS


def _prep_body(ei_ref, o_ref):
    pad_n = E_PAD - N_EDGES
    i = lax.broadcasted_iota(jnp.int32, (2, pad_n), 1)
    r = lax.broadcasted_iota(jnp.int32, (2, pad_n), 0)
    pad = jnp.where(r == 0, (i * 37) % N_NODES,
                    N_NODES + i % (N_ACC - N_NODES))
    full = jnp.concatenate([ei_ref[...], pad], axis=1)
    o_ref[...] = full.reshape(2, NW, NCHUNK, CH)


def _prep(edge_index):
    return pl.pallas_call(
        _prep_body,
        in_specs=[pl.BlockSpec((2, N_EDGES), lambda: (0, 0))],
        out_specs=pl.BlockSpec((2, NW, NCHUNK, CH), lambda: (0, 0, 0, 0)),
        out_shape=jax.ShapeDtypeStruct((2, NW, NCHUNK, CH), jnp.int32),
    )(edge_index)


def _finish_body(p0_ref, p1_ref, d0_ref, d1_ref, w_ref, b_ref, o_ref):
    a = p0_ref[0] + p1_ref[0]
    deg = d0_ref[...] + d1_ref[...]
    col = jnp.concatenate(
        [deg[r][:, None] for r in range(deg.shape[0])], axis=0)
    o_ref[...] = lax.dot_general(
        a, w_ref[...], (((1,), (1,)), ((), ())),
        preferred_element_type=jnp.float32,
    ) + col * b_ref[...][None, :]


def _finish(part, deg, W, b):
    blk = 2048
    grid = N_ACC // blk
    off = N_ACC // blk
    return pl.pallas_call(
        _finish_body,
        grid=(grid,),
        in_specs=[
            pl.BlockSpec((1, blk, D), lambda i: (0, i, 0)),
            pl.BlockSpec((1, blk, D), lambda i: (1, i, 0)),
            pl.BlockSpec((blk // D, D), lambda i: (i, 0)),
            pl.BlockSpec((blk // D, D), lambda i: (i + off, 0)),
            pl.BlockSpec((D, D), lambda i: (0, 0)),
            pl.BlockSpec((D,), lambda i: (0,)),
        ],
        out_specs=pl.BlockSpec((blk, D), lambda i: (i, 0)),
        out_shape=jax.ShapeDtypeStruct((N_NODES, D), jnp.float32),
    )(part, part, deg, deg, W, b)


def _sc_body(feat_hbm, idx_hbm, part_hbm, deg_hbm, src_v, dst_v,
             rows_v, rows2_v, ones_v, acc_sh, deg_sh, sem, sem2, semd):
    c = lax.axis_index("c")
    s = lax.axis_index("s")
    wid = c * NS + s

    def _zero_row(r, carry):
        for k in range(D // 16):
            rows_v[r, pl.ds(k * 16, 16)] = jnp.zeros((16,), jnp.float32)
        return carry
    lax.fori_loop(0, CH, _zero_row, 0)
    for k in range(D // 16):
        ones_v[pl.ds(k * 16, 16)] = jnp.ones((16,), jnp.float32)
    for k in range(RPT // CH):
        pltpu.sync_copy(rows_v, acc_sh.at[pl.ds(s * RPT + k * CH, CH)])
        pltpu.sync_copy(rows_v.at[k], deg_sh.at[pl.ds(s * RPT + k * CH, CH)])
    plsc.subcore_barrier()

    def _gather(j, buf, gsem):
        pltpu.async_copy(feat_hbm.at[src_v.at[j]], buf, gsem)

    def _gather_wait(j, buf, gsem):
        pltpu.make_async_copy(feat_hbm.at[src_v.at[j]], buf, gsem).wait()

    def _phase(p, pcarry):
        pltpu.sync_copy(idx_hbm.at[0, wid, pl.ds(p * HC, HC)], src_v)
        pltpu.sync_copy(idx_hbm.at[1, wid, pl.ds(p * HC, HC)], dst_v)
        _gather(0, rows_v, sem)

        def _pair(j, carry):
            a = 2 * j
            _gather(a + 1, rows2_v, sem2)
            pltpu.async_copy(ones_v, deg_sh.at[dst_v.at[a]], semd, add=True)
            _gather_wait(a, rows_v, sem)
            pltpu.sync_copy(rows_v, acc_sh.at[dst_v.at[a]], add=True)

            @pl.when(j + 1 < HC // 2)
            def _():
                _gather(a + 2, rows_v, sem)
            pltpu.async_copy(ones_v, deg_sh.at[dst_v.at[a + 1]], semd,
                             add=True)
            _gather_wait(a + 1, rows2_v, sem2)
            pltpu.sync_copy(rows2_v, acc_sh.at[dst_v.at[a + 1]], add=True)
            return carry
        lax.fori_loop(0, HC // 2, _pair, 0)

        def _drain(j, carry):
            pltpu.make_async_copy(ones_v, deg_sh.at[dst_v.at[0]],
                                  semd).wait()
            return carry
        lax.fori_loop(0, HC, _drain, 0)
        return pcarry
    lax.fori_loop(0, NCHUNK // HC, _phase, 0)
    plsc.subcore_barrier()

    base = s * RPT
    for k in range(RPT // D):
        pltpu.async_copy(deg_sh.at[pl.ds(base + k * D, D)],
                         deg_hbm.at[c * (N_ACC // D) + s * (RPT // D) + k],
                         semd)
    pltpu.sync_copy(acc_sh.at[pl.ds(base, RPT)],
                    part_hbm.at[c, pl.ds(base, RPT)])
    for k in range(RPT // D):
        pltpu.make_async_copy(
            deg_sh.at[pl.ds(base + k * D, D)],
            deg_hbm.at[c * (N_ACC // D) + s * (RPT // D) + k], semd).wait()


@functools.partial(
    pl.kernel,
    out_type=(
        jax.ShapeDtypeStruct((NC, N_ACC, D), jnp.float32),
        jax.ShapeDtypeStruct((NC * (N_ACC // D), D), jnp.float32),
    ),
    mesh=plsc.VectorSubcoreMesh(
        core_axis_name="c", subcore_axis_name="s", num_cores=NC,
        num_subcores=NS),
    scratch_types=[
        pltpu.VMEM((HC, CH), jnp.int32),
        pltpu.VMEM((HC, CH), jnp.int32),
        pltpu.VMEM((CH, D), jnp.float32),
        pltpu.VMEM((CH, D), jnp.float32),
        pltpu.VMEM((CH,), jnp.float32),
        pltpu.VMEM_SHARED((N_ACC, D), jnp.float32),
        pltpu.VMEM_SHARED((N_ACC,), jnp.float32),
        pltpu.SemaphoreType.DMA,
        pltpu.SemaphoreType.DMA,
        pltpu.SemaphoreType.DMA,
    ],
)
def _sc_aggregate(feat_hbm, idx_hbm, part_hbm, deg_hbm, src_v, dst_v,
                  rows_v, rows2_v, ones_v, acc_sh, deg_sh, sem, sem2, semd):
    _sc_body(feat_hbm, idx_hbm, part_hbm, deg_hbm, src_v, dst_v,
             rows_v, rows2_v, ones_v, acc_sh, deg_sh, sem, sem2, semd)


def kernel(feat, edge_index, W, b):
    idx = _prep(edge_index)
    part, deg = _sc_aggregate(feat, idx)
    return _finish(part, deg, W, b)

# --- scband reference (transcript-rebuilt; emitter-appended) ---
"""Pipeline reference for scband-gnnlayer-16707422781845 (READ-ONLY COPY).

The authoritative reference and input builder live on the scoring server;
editing this copy changes nothing except your own understanding.
"""

import jax, jax.numpy as jnp
import numpy as np

N_NODES = 10000
N_EDGES = 320000
D_IN = 128
D_OUT = 128


def setup_inputs(seed: int = 0) -> dict:
    key = jax.random.key(seed)
    k1, k2, k3 = jax.random.split(key, 3)
    feat = jax.random.normal(k1, (N_NODES, D_IN), dtype=jnp.float32)
    edge_index = jax.random.randint(k2, (2, N_EDGES), 0, N_NODES, dtype=jnp.int32)
    # Learned params of nn.Linear(in_dim, out_dim): weight init N(0, 0.1), bias zeros
    W = jax.random.normal(k3, (D_OUT, D_IN), dtype=jnp.float32) * 0.1
    b = jnp.zeros((D_OUT,), dtype=jnp.float32)
    return {"feat": feat, "edge_index": edge_index, "W": W, "b": b}


def reference(feat, edge_index, W, b):
    # h = Linear(feat)
    h = feat @ W.T + b
    # DGL update_all(copy_u('h','m'), sum('m','h')):
    # for each edge (src, dst), message = h[src]; dst node sums incoming messages.
    src = edge_index[0]
    dst = edge_index[1]
    msgs = jnp.take(h, src, axis=0)
    out = jax.ops.segment_sum(msgs, dst, num_segments=N_NODES)
    return out

if __name__ == "__main__":
    import jax
    _d = setup_inputs()
    print(jax.jit(kernel)(*tuple(_d.values())))

</pallas_src>

<mosaic_0001>
#map = affine_map<(d0, d1) -> (0, 0)>
#map1 = affine_map<(d0, d1) -> (0, 0, 0, 0)>
#map2 = affine_map<(d0, d1) -> (0, 0, 0)>
module attributes {stable_mosaic.version = 14 : i64} {
  func.func @_sc_aggregate(%arg0: i32, %arg1: i32, %arg2: memref<10000x128xf32, #tpu.memory_space<hbm>>, %arg3: memref<2x32x80x128xi32, #tpu.memory_space<hbm>>, %arg4: memref<2x10240x128xf32, #tpu.memory_space<hbm>>, %arg5: memref<160x128xf32, #tpu.memory_space<hbm>>, %arg6: memref<40x128xi32, #tpu.memory_space<vmem>>, %arg7: memref<40x128xi32, #tpu.memory_space<vmem>>, %arg8: memref<128x128xf32, #tpu.memory_space<vmem>>, %arg9: memref<128x128xf32, #tpu.memory_space<vmem>>, %arg10: memref<128xf32, #tpu.memory_space<vmem>>, %arg11: memref<10240x128xf32, #tpu.memory_space<vmem_shared>>, %arg12: memref<10240xf32, #tpu.memory_space<vmem_shared>>, %arg13: memref<!tpu.dma_semaphore, #tpu.memory_space<semaphore_mem>>, %arg14: memref<!tpu.dma_semaphore, #tpu.memory_space<semaphore_mem>>, %arg15: memref<!tpu.dma_semaphore, #tpu.memory_space<semaphore_mem>>) attributes {dimension_semantics = [#tpu.dimension_semantics<core_parallel>, #tpu.dimension_semantics<subcore_parallel>], iteration_bounds = array<i64: 2, 16>, scalar_prefetch = 0 : i64, scratch_operands = 10 : i64, tpu.core_type = #tpu.core_type<sc_vector_subcore>, window_params = [{transform_indices = #map}, {transform_indices = #map1}, {transform_indices = #map2}, {transform_indices = #map}]} {
    %mul3A = arith.constant 16 : i32
    %mul3A_0 = arith.muli %arg0, %mul3A : i32
    %add3A = arith.addi %mul3A_0, %arg1 : i32
    %scan3A = arith.constant 0 : i32
    %scan3A_1 = arith.constant 0 : i32
    %scan3A_2 = arith.constant 128 : i32
    %scan3A_3 = arith.addi %scan3A_1, %scan3A_2 : i32
    %scan3A_4 = arith.constant 1 : i32
    scf.for %scan3A_233 = %scan3A_1 to %scan3A_3 step %scan3A_4  : i32 {
      %broadcast_in_dim3A_234 = arith.constant 0.000000e+00 : f32
      %broadcast_in_dim3A_235 = vector.broadcast %broadcast_in_dim3A_234 : f32 to vector<16xf32>
      %swap3A_236 = arith.index_cast %scan3A_233 : i32 to index
      %swap3A_237 = arith.constant 0 : index
      %swap3A_238 = tpu.vector_load %arg8[%swap3A_236, %swap3A_237] {strides = array<i32>} : memref<128x128xf32, #tpu.memory_space<vmem>>, vector<1x16xf32>,
      %swap3A_239 = vector.shape_cast %swap3A_238 : vector<1x16xf32> to vector<16xf32>
      %swap3A_240 = vector.shape_cast %broadcast_in_dim3A_235 : vector<16xf32> to vector<1x16xf32>
      tpu.vector_store %arg8[%swap3A_236, %swap3A_237], %swap3A_240 {strides = array<i32>} : memref<128x128xf32, #tpu.memory_space<vmem>>, vector<1x16xf32>,
      %broadcast_in_dim3A_241 = arith.constant 0.000000e+00 : f32
      %broadcast_in_dim3A_242 = vector.broadcast %broadcast_in_dim3A_241 : f32 to vector<16xf32>
      %swap3A_243 = arith.index_cast %scan3A_233 : i32 to index
      %swap3A_244 = arith.constant 16 : index
      %swap3A_245 = tpu.vector_load %arg8[%swap3A_243, %swap3A_244] {strides = array<i32>} : memref<128x128xf32, #tpu.memory_space<vmem>>, vector<1x16xf32>,
      %swap3A_246 = vector.shape_cast %swap3A_245 : vector<1x16xf32> to vector<16xf32>
      %swap3A_247 = vector.shape_cast %broadcast_in_dim3A_242 : vector<16xf32> to vector<1x16xf32>
      tpu.vector_store %arg8[%swap3A_243, %swap3A_244], %swap3A_247 {strides = array<i32>} : memref<128x128xf32, #tpu.memory_space<vmem>>, vector<1x16xf32>,
      %broadcast_in_dim3A_248 = arith.constant 0.000000e+00 : f32
      %broadcast_in_dim3A_249 = vector.broadcast %broadcast_in_dim3A_248 : f32 to vector<16xf32>
      %swap3A_250 = arith.index_cast %scan3A_233 : i32 to index
      %swap3A_251 = arith.constant 32 : index
      %swap3A_252 = tpu.vector_load %arg8[%swap3A_250, %swap3A_251] {strides = array<i32>} : memref<128x128xf32, #tpu.memory_space<vmem>>, vector<1x16xf32>,
      %swap3A_253 = vector.shape_cast %swap3A_252 : vector<1x16xf32> to vector<16xf32>
      %swap3A_254 = vector.shape_cast %broadcast_in_dim3A_249 : vector<16xf32> to vector<1x16xf32>
      tpu.vector_store %arg8[%swap3A_250, %swap3A_251], %swap3A_254 {strides = array<i32>} : memref<128x128xf32, #tpu.memory_space<vmem>>, vector<1x16xf32>,
      %broadcast_in_dim3A_255 = arith.constant 0.000000e+00 : f32
      %broadcast_in_dim3A_256 = vector.broadcast %broadcast_in_dim3A_255 : f32 to vector<16xf32>
      %swap3A_257 = arith.index_cast %scan3A_233 : i32 to index
      %swap3A_258 = arith.constant 48 : index
      %swap3A_259 = tpu.vector_load %arg8[%swap3A_257, %swap3A_258] {strides = array<i32>} : memref<128x128xf32, #tpu.memory_space<vmem>>, vector<1x16xf32>,
      %swap3A_260 = vector.shape_cast %swap3A_259 : vector<1x16xf32> to vector<16xf32>
      %swap3A_261 = vector.shape_cast %broadcast_in_dim3A_256 : vector<16xf32> to vector<1x16xf32>
      tpu.vector_store %arg8[%swap3A_257, %swap3A_258], %swap3A_261 {strides = array<i32>} : memref<128x128xf32, #tpu.memory_space<vmem>>, vector<1x16xf32>,
      %broadcast_in_dim3A_262 = arith.constant 0.000000e+00 : f32
      %broadcast_in_dim3A_263 = vector.broadcast %broadcast_in_dim3A_262 : f32 to vector<16xf32>
      %swap3A_264 = arith.index_cast %scan3A_233 : i32 to index
      %swap3A_265 = arith.constant 64 : index
      %swap3A_266 = tpu.vector_load %arg8[%swap3A_264, %swap3A_265] {strides = array<i32>} : memref<128x128xf32, #tpu.memory_space<vmem>>, vector<1x16xf32>,
      %swap3A_267 = vector.shape_cast %swap3A_266 : vector<1x16xf32> to vector<16xf32>
      %swap3A_268 = vector.shape_cast %broadcast_in_dim3A_263 : vector<16xf32> to vector<1x16xf32>
      tpu.vector_store %arg8[%swap3A_264, %swap3A_265], %swap3A_268 {strides = array<i32>} : memref<128x128xf32, #tpu.memory_space<vmem>>, vector<1x16xf32>,
      %broadcast_in_dim3A_269 = arith.constant 0.000000e+00 : f32
      %broadcast_in_dim3A_270 = vector.broadcast %broadcast_in_dim3A_269 : f32 to vector<16xf32>
      %swap3A_271 = arith.index_cast %scan3A_233 : i32 to index
      %swap3A_272 = arith.constant 80 : index
      %swap3A_273 = tpu.vector_load %arg8[%swap3A_271, %swap3A_272] {strides = array<i32>} : memref<128x128xf32, #tpu.memory_space<vmem>>, vector<1x16xf32>,
      %swap3A_274 = vector.shape_cast %swap3A_273 : vector<1x16xf32> to vector<16xf32>
      %swap3A_275 = vector.shape_cast %broadcast_in_dim3A_270 : vector<16xf32> to vector<1x16xf32>
      tpu.vector_store %arg8[%swap3A_271, %swap3A_272], %swap3A_275 {strides = array<i32>} : memref<128x128xf32, #tpu.memory_space<vmem>>, vector<1x16xf32>,
      %broadcast_in_dim3A_276 = arith.constant 0.000000e+00 : f32
      %broadcast_in_dim3A_277 = vector.broadcast %broadcast_in_dim3A_276 : f32 to vector<16xf32>
      %swap3A_278 = arith.index_cast %scan3A_233 : i32 to index
      %swap3A_279 = arith.constant 96 : index
      %swap3A_280 = tpu.vector_load %arg8[%swap3A_278, %swap3A_279] {strides = array<i32>} : memref<128x128xf32, #tpu.memory_space<vmem>>, vector<1x16xf32>,
      %swap3A_281 = vector.shape_cast %swap3A_280 : vector<1x16xf32> to vector<16xf32>
      %swap3A_282 = vector.shape_cast %broadcast_in_dim3A_277 : vector<16xf32> to vector<1x16xf32>
      tpu.vector_store %arg8[%swap3A_278, %swap3A_279], %swap3A_282 {strides = array<i32>} : memref<128x128xf32, #tpu.memory_space<vmem>>, vector<1x16xf32>,
      %broadcast_in_dim3A_283 = arith.constant 0.000000e+00 : f32
      %broadcast_in_dim3A_284 = vector.broadcast %broadcast_in_dim3A_283 : f32 to vector<16xf32>
      %swap3A_285 = arith.index_cast %scan3A_233 : i32 to index
      %swap3A_286 = arith.constant 112 : index
      %swap3A_287 = tpu.vector_load %arg8[%swap3A_285, %swap3A_286] {strides = array<i32>} : memref<128x128xf32, #tpu.memory_space<vmem>>, vector<1x16xf32>,
      %swap3A_288 = vector.shape_cast %swap3A_287 : vector<1x16xf32> to vector<16xf32>
      %swap3A_289 = vector.shape_cast %broadcast_in_dim3A_284 : vector<16xf32> to vector<1x16xf32>
      tpu.vector_store %arg8[%swap3A_285, %swap3A_286], %swap3A_289 {strides = array<i32>} : memref<128x128xf32, #tpu.memory_space<vmem>>, vector<1x16xf32>,
    }
    %scan3A_5 = arith.constant 128 : i32
    %broadcast_in_dim3A = arith.constant 1.000000e+00 : f32
    %broadcast_in_dim3A_6 = vector.broadcast %broadcast_in_dim3A : f32 to vector<16xf32>
    %swap3A = arith.constant 0 : index
    %swap3A_7 = tpu.vector_load %arg10[%swap3A] {strides = array<i32>} : memref<128xf32, #tpu.memory_space<vmem>>, vector<16xf32>,
    %swap3A_8 = vector.shape_cast %swap3A_7 : vector<16xf32> to vector<16xf32>
    %swap3A_9 = vector.shape_cast %broadcast_in_dim3A_6 : vector<16xf32> to vector<16xf32>
    tpu.vector_store %arg10[%swap3A], %swap3A_9 {strides = array<i32>} : memref<128xf32, #tpu.memory_space<vmem>>, vector<16xf32>,
    %broadcast_in_dim3A_10 = arith.constant 1.000000e+00 : f32
    %broadcast_in_dim3A_11 = vector.broadcast %broadcast_in_dim3A_10 : f32 to vector<16xf32>
    %swap3A_12 = arith.constant 16 : index
    %swap3A_13 = tpu.vector_load %arg10[%swap3A_12] {strides = array<i32>} : memref<128xf32, #tpu.memory_space<vmem>>, vector<16xf32>,
    %swap3A_14 = vector.shape_cast %swap3A_13 : vector<16xf32> to vector<16xf32>
    %swap3A_15 = vector.shape_cast %broadcast_in_dim3A_11 : vector<16xf32> to vector<16xf32>
    tpu.vector_store %arg10[%swap3A_12], %swap3A_15 {strides = array<i32>} : memref<128xf32, #tpu.memory_space<vmem>>, vector<16xf32>,
    %broadcast_in_dim3A_16 = arith.constant 1.000000e+00 : f32
    %broadcast_in_dim3A_17 = vector.broadcast %broadcast_in_dim3A_16 : f32 to vector<16xf32>
    %swap3A_18 = arith.constant 32 : index
    %swap3A_19 = tpu.vector_load %arg10[%swap3A_18] {strides = array<i32>} : memref<128xf32, #tpu.memory_space<vmem>>, vector<16xf32>,
    %swap3A_20 = vector.shape_cast %swap3A_19 : vector<16xf32> to vector<16xf32>
    %swap3A_21 = vector.shape_cast %broadcast_in_dim3A_17 : vector<16xf32> to vector<16xf32>
    tpu.vector_store %arg10[%swap3A_18], %swap3A_21 {strides = array<i32>} : memref<128xf32, #tpu.memory_space<vmem>>, vector<16xf32>,
    %broadcast_in_dim3A_22 = arith.constant 1.000000e+00 : f32
    %broadcast_in_dim3A_23 = vector.broadcast %broadcast_in_dim3A_22 : f32 to vector<16xf32>
    %swap3A_24 = arith.constant 48 : index
    %swap3A_25 = tpu.vector_load %arg10[%swap3A_24] {strides = array<i32>} : memref<128xf32, #tpu.memory_space<vmem>>, vector<16xf32>,
    %swap3A_26 = vector.shape_cast %swap3A_25 : vector<16xf32> to vector<16xf32>
    %swap3A_27 = vector.shape_cast %broadcast_in_dim3A_23 : vector<16xf32> to vector<16xf32>
    tpu.vector_store %arg10[%swap3A_24], %swap3A_27 {strides = array<i32>} : memref<128xf32, #tpu.memory_space<vmem>>, vector<16xf32>,
    %broadcast_in_dim3A_28 = arith.constant 1.000000e+00 : f32
    %broadcast_in_dim3A_29 = vector.broadcast %broadcast_in_dim3A_28 : f32 to vector<16xf32>
    %swap3A_30 = arith.constant 64 : index
    %swap3A_31 = tpu.vector_load %arg10[%swap3A_30] {strides = array<i32>} : memref<128xf32, #tpu.memory_space<vmem>>, vector<16xf32>,
    %swap3A_32 = vector.shape_cast %swap3A_31 : vector<16xf32> to vector<16xf32>
    %swap3A_33 = vector.shape_cast %broadcast_in_dim3A_29 : vector<16xf32> to vector<16xf32>
    tpu.vector_store %arg10[%swap3A_30], %swap3A_33 {strides = array<i32>} : memref<128xf32, #tpu.memory_space<vmem>>, vector<16xf32>,
    %broadcast_in_dim3A_34 = arith.constant 1.000000e+00 : f32
    %broadcast_in_dim3A_35 = vector.broadcast %broadcast_in_dim3A_34 : f32 to vector<16xf32>
    %swap3A_36 = arith.constant 80 : index
    %swap3A_37 = tpu.vector_load %arg10[%swap3A_36] {strides = array<i32>} : memref<128xf32, #tpu.memory_space<vmem>>, vector<16xf32>,
    %swap3A_38 = vector.shape_cast %swap3A_37 : vector<16xf32> to vector<16xf32>
    %swap3A_39 = vector.shape_cast %broadcast_in_dim3A_35 : vector<16xf32> to vector<16xf32>
    tpu.vector_store %arg10[%swap3A_36], %swap3A_39 {strides = array<i32>} : memref<128xf32, #tpu.memory_space<vmem>>, vector<16xf32>,
    %broadcast_in_dim3A_40 = arith.constant 1.000000e+00 : f32
    %broadcast_in_dim3A_41 = vector.broadcast %broadcast_in_dim3A_40 : f32 to vector<16xf32>
    %swap3A_42 = arith.constant 96 : index
    %swap3A_43 = tpu.vector_load %arg10[%swap3A_42] {strides = array<i32>} : memref<128xf32, #tpu.memory_space<vmem>>, vector<16xf32>,
    %swap3A_44 = vector.shape_cast %swap3A_43 : vector<16xf32> to vector<16xf32>
    %swap3A_45 = vector.shape_cast %broadcast_in_dim3A_41 : vector<16xf32> to vector<16xf32>
    tpu.vector_store %arg10[%swap3A_42], %swap3A_45 {strides = array<i32>} : memref<128xf32, #tpu.memory_space<vmem>>, vector<16xf32>,
    %broadcast_in_dim3A_46 = arith.constant 1.000000e+00 : f32
    %broadcast_in_dim3A_47 = vector.broadcast %broadcast_in_dim3A_46 : f32 to vector<16xf32>
    %swap3A_48 = arith.constant 112 : index
    %swap3A_49 = tpu.vector_load %arg10[%swap3A_48] {strides = array<i32>} : memref<128xf32, #tpu.memory_space<vmem>>, vector<16xf32>,
    %swap3A_50 = vector.shape_cast %swap3A_49 : vector<16xf32> to vector<16xf32>
    %swap3A_51 = vector.shape_cast %broadcast_in_dim3A_47 : vector<16xf32> to vector<16xf32>
    tpu.vector_store %arg10[%swap3A_48], %swap3A_51 {strides = array<i32>} : memref<128xf32, #tpu.memory_space<vmem>>, vector<16xf32>,
    %mul3A_52 = arith.constant 640 : i32
    %mul3A_53 = arith.muli %arg1, %mul3A_52 : i32
    %add3A_54 = arith.constant 0 : i32
    %add3A_55 = arith.addi %mul3A_53, %add3A_54 : i32
    "tpu.region"() ({
      %run_scoped3A_233 = tpu.sem_alloc : memref<!tpu.dma_semaphore, #tpu.memory_space<semaphore_mem>>
      %dma_start3A_234 = arith.constant 0 : i32
      %dma_start3A_235 = tpu.memref_slice %arg11[%add3A_55, %dma_start3A_234] : memref<10240x128xf32, #tpu.memory_space<vmem_shared>> -> memref<128x128xf32, #tpu.memory_space<vmem_shared>>
      %dma_start3A_236 = arith.constant 0 : i32
      %dma_start3A_237 = tpu.memref_slice %arg11[%add3A_55, %dma_start3A_236] : memref<10240x128xf32, #tpu.memory_space<vmem_shared>> -> memref<128x128xf32, #tpu.memory_space<vmem_shared>>
      tpu.enqueue_dma source(%arg8 : memref<128x128xf32, #tpu.memory_space<vmem>>) target(%dma_start3A_237 : memref<128x128xf32, #tpu.memory_space<vmem_shared>>) target_semaphore(%run_scoped3A_233 : memref<!tpu.dma_semaphore, #tpu.memory_space<semaphore_mem>>)
      %dma_wait3A_238 = arith.constant 0 : i32
      %dma_wait3A_239 = tpu.memref_slice %arg11[%add3A_55, %dma_wait3A_238] : memref<10240x128xf32, #tpu.memory_space<vmem_shared>> -> memref<128x128xf32, #tpu.memory_space<vmem_shared>>
      %dma_wait3A_240 = arith.constant 0 : i32
      %dma_wait3A_241 = tpu.memref_slice %arg11[%add3A_55, %dma_wait3A_240] : memref<10240x128xf32, #tpu.memory_space<vmem_shared>> -> memref<128x128xf32, #tpu.memory_space<vmem_shared>>
      tpu.wait_dma2 semaphore(%run_scoped3A_233 : memref<!tpu.dma_semaphore, #tpu.memory_space<semaphore_mem>>) src(%arg8 : memref<128x128xf32, #tpu.memory_space<vmem>>) dst(%dma_wait3A_241 : memref<128x128xf32, #tpu.memory_space<vmem_shared>>)
      tpu.yield
    }) : () -> ()
    %mul3A_56 = arith.constant 640 : i32
    %mul3A_57 = arith.muli %arg1, %mul3A_56 : i32
    %add3A_58 = arith.constant 0 : i32
    %add3A_59 = arith.addi %mul3A_57, %add3A_58 : i32
    %run_scoped3A = arith.constant 0 : i32
    "tpu.region"() ({
      %run_scoped3A_233 = tpu.sem_alloc : memref<!tpu.dma_semaphore, #tpu.memory_space<semaphore_mem>>
      %dma_start3A_234 = arith.constant 0 : i32
      %dma_start3A_235 = tpu.memref_slice %arg8[%run_scoped3A, %dma_start3A_234] : memref<128x128xf32, #tpu.memory_space<vmem>> -> memref<1x128xf32, #tpu.memory_space<vmem>>
      %dma_start3A_236 = tpu.memref_squeeze %dma_start3A_235 : memref<1x128xf32, #tpu.memory_space<vmem>> -> memref<128xf32, #tpu.memory_space<vmem>>
      %dma_start3A_237 = tpu.memref_slice %arg12[%add3A_59] : memref<10240xf32, #tpu.memory_space<vmem_shared>> -> memref<128xf32, #tpu.memory_space<vmem_shared>>
      %dma_start3A_238 = tpu.memref_slice %arg12[%add3A_59] : memref<10240xf32, #tpu.memory_space<vmem_shared>> -> memref<128xf32, #tpu.memory_space<vmem_shared>>
      %dma_start3A_239 = arith.constant 0 : i32
      %dma_start3A_240 = tpu.memref_slice %arg8[%run_scoped3A, %dma_start3A_239] : memref<128x128xf32, #tpu.memory_space<vmem>> -> memref<1x128xf32, #tpu.memory_space<vmem>>
      %dma_start3A_241 = tpu.memref_squeeze %dma_start3A_240 : memref<1x128xf32, #tpu.memory_space<vmem>> -> memref<128xf32, #tpu.memory_space<vmem>>
      tpu.enqueue_dma source(%dma_start3A_241 : memref<128xf32, #tpu.memory_space<vmem>>) target(%dma_start3A_238 : memref<128xf32, #tpu.memory_space<vmem_shared>>) target_semaphore(%run_scoped3A_233 : memref<!tpu.dma_semaphore, #tpu.memory_space<semaphore_mem>>)
      %dma_wait3A_242 = arith.constant 0 : i32
      %dma_wait3A_243 = tpu.memref_slice %arg8[%run_scoped3A, %dma_wait3A_242] : memref<128x128xf32, #tpu.memory_space<vmem>> -> memref<1x128xf32, #tpu.memory_space<vmem>>
      %dma_wait3A_244 = tpu.memref_squeeze %dma_wait3A_243 : memref<1x128xf32, #tpu.memory_space<vmem>> -> memref<128xf32, #tpu.memory_space<vmem>>
      %dma_wait3A_245 = tpu.memref_slice %arg12[%add3A_59] : memref<10240xf32, #tpu.memory_space<vmem_shared>> -> memref<128xf32, #tpu.memory_space<vmem_shared>>
      %dma_wait3A_246 = tpu.memref_slice %arg12[%add3A_59] : memref<10240xf32, #tpu.memory_space<vmem_shared>> -> memref<128xf32, #tpu.memory_space<vmem_shared>>
      %dma_wait3A_247 = arith.constant 0 : i32
      %dma_wait3A_248 = tpu.memref_slice %arg8[%run_scoped3A, %dma_wait3A_247] : memref<128x128xf32, #tpu.memory_space<vmem>> -> memref<1x128xf32, #tpu.memory_space<vmem>>
      %dma_wait3A_249 = tpu.memref_squeeze %dma_wait3A_248 : memref<1x128xf32, #tpu.memory_space<vmem>> -> memref<128xf32, #tpu.memory_space<vmem>>
      tpu.wait_dma2 semaphore(%run_scoped3A_233 : memref<!tpu.dma_semaphore, #tpu.memory_space<semaphore_mem>>) src(%dma_wait3A_249 : memref<128xf32, #tpu.memory_space<vmem>>) dst(%dma_wait3A_246 : memref<128xf32, #tpu.memory_space<vmem_shared>>)
      tpu.yield
    }) : () -> ()
    %mul3A_60 = arith.constant 640 : i32
    %mul3A_61 = arith.muli %arg1, %mul3A_60 : i32
    %add3A_62 = arith.constant 128 : i32
    %add3A_63 = arith.addi %mul3A_61, %add3A_62 : i32
    "tpu.region"() ({
      %run_scoped3A_233 = tpu.sem_alloc : memref<!tpu.dma_semaphore, #tpu.memory_space<semaphore_mem>>
      %dma_start3A_234 = arith.constant 0 : i32
      %dma_start3A_235 = tpu.memref_slice %arg11[%add3A_63, %dma_start3A_234] : memref<10240x128xf32, #tpu.memory_space<vmem_shared>> -> memref<128x128xf32, #tpu.memory_space<vmem_shared>>
      %dma_start3A_236 = arith.constant 0 : i32
      %dma_start3A_237 = tpu.memref_slice %arg11[%add3A_63, %dma_start3A_236] : memref<10240x128xf32, #tpu.memory_space<vmem_shared>> -> memref<128x128xf32, #tpu.memory_space<vmem_shared>>
      tpu.enqueue_dma source(%arg8 : memref<128x128xf32, #tpu.memory_space<vmem>>) target(%dma_start3A_237 : memref<128x128xf32, #tpu.memory_space<vmem_shared>>) target_semaphore(%run_scoped3A_233 : memref<!tpu.dma_semaphore, #tpu.memory_space<semaphore_mem>>)
      %dma_wait3A_238 = arith.constant 0 : i32
      %dma_wait3A_239 = tpu.memref_slice %arg11[%add3A_63, %dma_wait3A_238] : memref<10240x128xf32, #tpu.memory_space<vmem_shared>> -> memref<128x128xf32, #tpu.memory_space<vmem_shared>>
      %dma_wait3A_240 = arith.constant 0 : i32
      %dma_wait3A_241 = tpu.memref_slice %arg11[%add3A_63, %dma_wait3A_240] : memref<10240x128xf32, #tpu.memory_space<vmem_shared>> -> memref<128x128xf32, #tpu.memory_space<vmem_shared>>
      tpu.wait_dma2 semaphore(%run_scoped3A_233 : memref<!tpu.dma_semaphore, #tpu.memory_space<semaphore_mem>>) src(%arg8 : memref<128x128xf32, #tpu.memory_space<vmem>>) dst(%dma_wait3A_241 : memref<128x128xf32, #tpu.memory_space<vmem_shared>>)
      tpu.yield
    }) : () -> ()
    %mul3A_64 = arith.constant 640 : i32
    %mul3A_65 = arith.muli %arg1, %mul3A_64 : i32
    %add3A_66 = arith.constant 128 : i32
    %add3A_67 = arith.addi %mul3A_65, %add3A_66 : i32
    %run_scoped3A_68 = arith.constant 1 : i32
    "tpu.region"() ({
      %run_scoped3A_233 = tpu.sem_alloc : memref<!tpu.dma_semaphore, #tpu.memory_space<semaphore_mem>>
      %dma_start3A_234 = arith.constant 0 : i32
      %dma_start3A_235 = tpu.memref_slice %arg8[%run_scoped3A_68, %dma_start3A_234] : memref<128x128xf32, #tpu.memory_space<vmem>> -> memref<1x128xf32, #tpu.memory_space<vmem>>
      %dma_start3A_236 = tpu.memref_squeeze %dma_start3A_235 : memref<1x128xf32, #tpu.memory_space<vmem>> -> memref<128xf32, #tpu.memory_space<vmem>>
      %dma_start3A_237 = tpu.memref_slice %arg12[%add3A_67] : memref<10240xf32, #tpu.memory_space<vmem_shared>> -> memref<128xf32, #tpu.memory_space<vmem_shared>>
      %dma_start3A_238 = tpu.memref_slice %arg12[%add3A_67] : memref<10240xf32, #tpu.memory_space<vmem_shared>> -> memref<128xf32, #tpu.memory_space<vmem_shared>>
      %dma_start3A_239 = arith.constant 0 : i32
      %dma_start3A_240 = tpu.memref_slice %arg8[%run_scoped3A_68, %dma_start3A_239] : memref<128x128xf32, #tpu.memory_space<vmem>> -> memref<1x128xf32, #tpu.memory_space<vmem>>
      %dma_start3A_241 = tpu.memref_squeeze %dma_start3A_240 : memref<1x128xf32, #tpu.memory_space<vmem>> -> memref<128xf32, #tpu.memory_space<vmem>>
      tpu.enqueue_dma source(%dma_start3A_241 : memref<128xf32, #tpu.memory_space<vmem>>) target(%dma_start3A_238 : memref<128xf32, #tpu.memory_space<vmem_shared>>) target_semaphore(%run_scoped3A_233 : memref<!tpu.dma_semaphore, #tpu.memory_space<semaphore_mem>>)
      %dma_wait3A_242 = arith.constant 0 : i32
      %dma_wait3A_243 = tpu.memref_slice %arg8[%run_scoped3A_68, %dma_wait3A_242] : memref<128x128xf32, #tpu.memory_space<vmem>> -> memref<1x128xf32, #tpu.memory_space<vmem>>
      %dma_wait3A_244 = tpu.memref_squeeze %dma_wait3A_243 : memref<1x128xf32, #tpu.memory_space<vmem>> -> memref<128xf32, #tpu.memory_space<vmem>>
      %dma_wait3A_245 = tpu.memref_slice %arg12[%add3A_67] : memref<10240xf32, #tpu.memory_space<vmem_shared>> -> memref<128xf32, #tpu.memory_space<vmem_shared>>
      %dma_wait3A_246 = tpu.memref_slice %arg12[%add3A_67] : memref<10240xf32, #tpu.memory_space<vmem_shared>> -> memref<128xf32, #tpu.memory_space<vmem_shared>>
      %dma_wait3A_247 = arith.constant 0 : i32
      %dma_wait3A_248 = tpu.memref_slice %arg8[%run_scoped3A_68, %dma_wait3A_247] : memref<128x128xf32, #tpu.memory_space<vmem>> -> memref<1x128xf32, #tpu.memory_space<vmem>>
      %dma_wait3A_249 = tpu.memref_squeeze %dma_wait3A_248 : memref<1x128xf32, #tpu.memory_space<vmem>> -> memref<128xf32, #tpu.memory_space<vmem>>
      tpu.wait_dma2 semaphore(%run_scoped3A_233 : memref<!tpu.dma_semaphore, #tpu.memory_space<semaphore_mem>>) src(%dma_wait3A_249 : memref<128xf32, #tpu.memory_space<vmem>>) dst(%dma_wait3A_246 : memref<128xf32, #tpu.memory_space<vmem_shared>>)
      tpu.yield
    }) : () -> ()
    %mul3A_69 = arith.constant 640 : i32
    %mul3A_70 = arith.muli %arg1, %mul3A_69 : i32
    %add3A_71 = arith.constant 256 : i32
    %add3A_72 = arith.addi %mul3A_70, %add3A_71 : i32
    "tpu.region"() ({
      %run_scoped3A_233 = tpu.sem_alloc : memref<!tpu.dma_semaphore, #tpu.memory_space<semaphore_mem>>
      %dma_start3A_234 = arith.constant 0 : i32
      %dma_start3A_235 = tpu.memref_slice %arg11[%add3A_72, %dma_start3A_234] : memref<10240x128xf32, #tpu.memory_space<vmem_shared>> -> memref<128x128xf32, #tpu.memory_space<vmem_shared>>
      %dma_start3A_236 = arith.constant 0 : i32
      %dma_start3A_237 = tpu.memref_slice %arg11[%add3A_72, %dma_start3A_236] : memref<10240x128xf32, #tpu.memory_space<vmem_shared>> -> memref<128x128xf32, #tpu.memory_space<vmem_shared>>
      tpu.enqueue_dma source(%arg8 : memref<128x128xf32, #tpu.memory_space<vmem>>) target(%dma_start3A_237 : memref<128x128xf32, #tpu.memory_space<vmem_shared>>) target_semaphore(%run_scoped3A_233 : memref<!tpu.dma_semaphore, #tpu.memory_space<semaphore_mem>>)
      %dma_wait3A_238 = arith.constant 0 : i32
      %dma_wait3A_239 = tpu.memref_slice %arg11[%add3A_72, %dma_wait3A_238] : memref<10240x128xf32, #tpu.memory_space<vmem_shared>> -> memref<128x128xf32, #tpu.memory_space<vmem_shared>>
      %dma_wait3A_240 = arith.constant 0 : i32
      %dma_wait3A_241 = tpu.memref_slice %arg11[%add3A_72, %dma_wait3A_240] : memref<10240x128xf32, #tpu.memory_space<vmem_shared>> -> memref<128x128xf32, #tpu.memory_space<vmem_shared>>
      tpu.wait_dma2 semaphore(%run_scoped3A_233 : memref<!tpu.dma_semaphore, #tpu.memory_space<semaphore_mem>>) src(%arg8 : memref<128x128xf32, #tpu.memory_space<vmem>>) dst(%dma_wait3A_241 : memref<128x128xf32, #tpu.memory_space<vmem_shared>>)
      tpu.yield
    }) : () -> ()
    %mul3A_73 = arith.constant 640 : i32
    %mul3A_74 = arith.muli %arg1, %mul3A_73 : i32
    %add3A_75 = arith.constant 256 : i32
    %add3A_76 = arith.addi %mul3A_74, %add3A_75 : i32
    %run_scoped3A_77 = arith.constant 2 : i32
    "tpu.region"() ({
      %run_scoped3A_233 = tpu.sem_alloc : memref<!tpu.dma_semaphore, #tpu.memory_space<semaphore_mem>>
      %dma_start3A_234 = arith.constant 0 : i32
      %dma_start3A_235 = tpu.memref_slice %arg8[%run_scoped3A_77, %dma_start3A_234] : memref<128x128xf32, #tpu.memory_space<vmem>> -> memref<1x128xf32, #tpu.memory_space<vmem>>
      %dma_start3A_236 = tpu.memref_squeeze %dma_start3A_235 : memref<1x128xf32, #tpu.memory_space<vmem>> -> memref<128xf32, #tpu.memory_space<vmem>>
      %dma_start3A_237 = tpu.memref_slice %arg12[%add3A_76] : memref<10240xf32, #tpu.memory_space<vmem_shared>> -> memref<128xf32, #tpu.memory_space<vmem_shared>>
      %dma_start3A_238 = tpu.memref_slice %arg12[%add3A_76] : memref<10240xf32, #tpu.memory_space<vmem_shared>> -> memref<128xf32, #tpu.memory_space<vmem_shared>>
      %dma_start3A_239 = arith.constant 0 : i32
      %dma_start3A_240 = tpu.memref_slice %arg8[%run_scoped3A_77, %dma_start3A_239] : memref<128x128xf32, #tpu.memory_space<vmem>> -> memref<1x128xf32, #tpu.memory_space<vmem>>
      %dma_start3A_241 = tpu.memref_squeeze %dma_start3A_240 : memref<1x128xf32, #tpu.memory_space<vmem>> -> memref<128xf32, #tpu.memory_space<vmem>>
      tpu.enqueue_dma source(%dma_start3A_241 : memref<128xf32, #tpu.memory_space<vmem>>) target(%dma_start3A_238 : memref<128xf32, #tpu.memory_space<vmem_shared>>) target_semaphore(%run_scoped3A_233 : memref<!tpu.dma_semaphore, #tpu.memory_space<semaphore_mem>>)
      %dma_wait3A_242 = arith.constant 0 : i32
      %dma_wait3A_243 = tpu.memref_slice %arg8[%run_scoped3A_77, %dma_wait3A_242] : memref<128x128xf32, #tpu.memory_space<vmem>> -> memref<1x128xf32, #tpu.memory_space<vmem>>
      %dma_wait3A_244 = tpu.memref_squeeze %dma_wait3A_243 : memref<1x128xf32, #tpu.memory_space<vmem>> -> memref<128xf32, #tpu.memory_space<vmem>>
      %dma_wait3A_245 = tpu.memref_slice %arg12[%add3A_76] : memref<10240xf32, #tpu.memory_space<vmem_shared>> -> memref<128xf32, #tpu.memory_space<vmem_shared>>
      %dma_wait3A_246 = tpu.memref_slice %arg12[%add3A_76] : memref<10240xf32, #tpu.memory_space<vmem_shared>> -> memref<128xf32, #tpu.memory_space<vmem_shared>>
      %dma_wait3A_247 = arith.constant 0 : i32
      %dma_wait3A_248 = tpu.memref_slice %arg8[%run_scoped3A_77, %dma_wait3A_247] : memref<128x128xf32, #tpu.memory_space<vmem>> -> memref<1x128xf32, #tpu.memory_space<vmem>>
      %dma_wait3A_249 = tpu.memref_squeeze %dma_wait3A_248 : memref<1x128xf32, #tpu.memory_space<vmem>> -> memref<128xf32, #tpu.memory_space<vmem>>
      tpu.wait_dma2 semaphore(%run_scoped3A_233 : memref<!tpu.dma_semaphore, #tpu.memory_space<semaphore_mem>>) src(%dma_wait3A_249 : memref<128xf32, #tpu.memory_space<vmem>>) dst(%dma_wait3A_246 : memref<128xf32, #tpu.memory_space<vmem_shared>>)
      tpu.yield
    }) : () -> ()
    %mul3A_78 = arith.constant 640 : i32
    %mul3A_79 = arith.muli %arg1, %mul3A_78 : i32
    %add3A_80 = arith.constant 384 : i32
    %add3A_81 = arith.addi %mul3A_79, %add3A_80 : i32
    "tpu.region"() ({
      %run_scoped3A_233 = tpu.sem_alloc : memref<!tpu.dma_semaphore, #tpu.memory_space<semaphore_mem>>
      %dma_start3A_234 = arith.constant 0 : i32
      %dma_start3A_235 = tpu.memref_slice %arg11[%add3A_81, %dma_start3A_234] : memref<10240x128xf32, #tpu.memory_space<vmem_shared>> -> memref<128x128xf32, #tpu.memory_space<vmem_shared>>
      %dma_start3A_236 = arith.constant 0 : i32
      %dma_start3A_237 = tpu.memref_slice %arg11[%add3A_81, %dma_start3A_236] : memref<10240x128xf32, #tpu.memory_space<vmem_shared>> -> memref<128x128xf32, #tpu.memory_space<vmem_shared>>
      tpu.enqueue_dma source(%arg8 : memref<128x128xf32, #tpu.memory_space<vmem>>) target(%dma_start3A_237 : memref<128x128xf32, #tpu.memory_space<vmem_shared>>) target_semaphore(%run_scoped3A_233 : memref<!tpu.dma_semaphore, #tpu.memory_space<semaphore_mem>>)
      %dma_wait3A_238 = arith.constant 0 : i32
      %dma_wait3A_239 = tpu.memref_slice %arg11[%add3A_81, %dma_wait3A_238] : memref<10240x128xf32, #tpu.memory_space<vmem_shared>> -> memref<128x128xf32, #tpu.memory_space<vmem_shared>>
      %dma_wait3A_240 = arith.constant 0 : i32
      %dma_wait3A_241 = tpu.memref_slice %arg11[%add3A_81, %dma_wait3A_240] : memref<10240x128xf32, #tpu.memory_space<vmem_shared>> -> memref<128x128xf32, #tpu.memory_space<vmem_shared>>
      tpu.wait_dma2 semaphore(%run_scoped3A_233 : memref<!tpu.dma_semaphore, #tpu.memory_space<semaphore_mem>>) src(%arg8 : memref<128x128xf32, #tpu.memory_space<vmem>>) dst(%dma_wait3A_241 : memref<128x128xf32, #tpu.memory_space<vmem_shared>>)
      tpu.yield
    }) : () -> ()
    %mul3A_82 = arith.constant 640 : i32
    %mul3A_83 = arith.muli %arg1, %mul3A_82 : i32
    %add3A_84 = arith.constant 384 : i32
    %add3A_85 = arith.addi %mul3A_83, %add3A_84 : i32
    %run_scoped3A_86 = arith.constant 3 : i32
    "tpu.region"() ({
      %run_scoped3A_233 = tpu.sem_alloc : memref<!tpu.dma_semaphore, #tpu.memory_space<semaphore_mem>>
      %dma_start3A_234 = arith.constant 0 : i32
      %dma_start3A_235 = tpu.memref_slice %arg8[%run_scoped3A_86, %dma_start3A_234] : memref<128x128xf32, #tpu.memory_space<vmem>> -> memref<1x128xf32, #tpu.memory_space<vmem>>
      %dma_start3A_236 = tpu.memref_squeeze %dma_start3A_235 : memref<1x128xf32, #tpu.memory_space<vmem>> -> memref<128xf32, #tpu.memory_space<vmem>>
      %dma_start3A_237 = tpu.memref_slice %arg12[%add3A_85] : memref<10240xf32, #tpu.memory_space<vmem_shared>> -> memref<128xf32, #tpu.memory_space<vmem_shared>>
      %dma_start3A_238 = tpu.memref_slice %arg12[%add3A_85] : memref<10240xf32, #tpu.memory_space<vmem_shared>> -> memref<128xf32, #tpu.memory_space<vmem_shared>>
      %dma_start3A_239 = arith.constant 0 : i32
      %dma_start3A_240 = tpu.memref_slice %arg8[%run_scoped3A_86, %dma_start3A_239] : memref<128x128xf32, #tpu.memory_space<vmem>> -> memref<1x128xf32, #tpu.memory_space<vmem>>
      %dma_start3A_241 = tpu.memref_squeeze %dma_start3A_240 : memref<1x128xf32, #tpu.memory_space<vmem>> -> memref<128xf32, #tpu.memory_space<vmem>>
      tpu.enqueue_dma source(%dma_start3A_241 : memref<128xf32, #tpu.memory_space<vmem>>) target(%dma_start3A_238 : memref<128xf32, #tpu.memory_space<vmem_shared>>) target_semaphore(%run_scoped3A_233 : memref<!tpu.dma_semaphore, #tpu.memory_space<semaphore_mem>>)
      %dma_wait3A_242 = arith.constant 0 : i32
      %dma_wait3A_243 = tpu.memref_slice %arg8[%run_scoped3A_86, %dma_wait3A_242] : memref<128x128xf32, #tpu.memory_space<vmem>> -> memref<1x128xf32, #tpu.memory_space<vmem>>
      %dma_wait3A_244 = tpu.memref_squeeze %dma_wait3A_243 : memref<1x128xf32, #tpu.memory_space<vmem>> -> memref<128xf32, #tpu.memory_space<vmem>>
      %dma_wait3A_245 = tpu.memref_slice %arg12[%add3A_85] : memref<10240xf32, #tpu.memory_space<vmem_shared>> -> memref<128xf32, #tpu.memory_space<vmem_shared>>
      %dma_wait3A_246 = tpu.memref_slice %arg12[%add3A_85] : memref<10240xf32, #tpu.memory_space<vmem_shared>> -> memref<128xf32, #tpu.memory_space<vmem_shared>>
      %dma_wait3A_247 = arith.constant 0 : i32
      %dma_wait3A_248 = tpu.memref_slice %arg8[%run_scoped3A_86, %dma_wait3A_247] : memref<128x128xf32, #tpu.memory_space<vmem>> -> memref<1x128xf32, #tpu.memory_space<vmem>>
      %dma_wait3A_249 = tpu.memref_squeeze %dma_wait3A_248 : memref<1x128xf32, #tpu.memory_space<vmem>> -> memref<128xf32, #tpu.memory_space<vmem>>
      tpu.wait_dma2 semaphore(%run_scoped3A_233 : memref<!tpu.dma_semaphore, #tpu.memory_space<semaphore_mem>>) src(%dma_wait3A_249 : memref<128xf32, #tpu.memory_space<vmem>>) dst(%dma_wait3A_246 : memref<128xf32, #tpu.memory_space<vmem_shared>>)
      tpu.yield
    }) : () -> ()
    %mul3A_87 = arith.constant 640 : i32
    %mul3A_88 = arith.muli %arg1, %mul3A_87 : i32
    %add3A_89 = arith.constant 512 : i32
    %add3A_90 = arith.addi %mul3A_88, %add3A_89 : i32
    "tpu.region"() ({
      %run_scoped3A_233 = tpu.sem_alloc : memref<!tpu.dma_semaphore, #tpu.memory_space<semaphore_mem>>
      %dma_start3A_234 = arith.constant 0 : i32
      %dma_start3A_235 = tpu.memref_slice %arg11[%add3A_90, %dma_start3A_234] : memref<10240x128xf32, #tpu.memory_space<vmem_shared>> -> memref<128x128xf32, #tpu.memory_space<vmem_shared>>
      %dma_start3A_236 = arith.constant 0 : i32
      %dma_start3A_237 = tpu.memref_slice %arg11[%add3A_90, %dma_start3A_236] : memref<10240x128xf32, #tpu.memory_space<vmem_shared>> -> memref<128x128xf32, #tpu.memory_space<vmem_shared>>
      tpu.enqueue_dma source(%arg8 : memref<128x128xf32, #tpu.memory_space<vmem>>) target(%dma_start3A_237 : memref<128x128xf32, #tpu.memory_space<vmem_shared>>) target_semaphore(%run_scoped3A_233 : memref<!tpu.dma_semaphore, #tpu.memory_space<semaphore_mem>>)
      %dma_wait3A_238 = arith.constant 0 : i32
      %dma_wait3A_239 = tpu.memref_slice %arg11[%add3A_90, %dma_wait3A_238] : memref<10240x128xf32, #tpu.memory_space<vmem_shared>> -> memref<128x128xf32, #tpu.memory_space<vmem_shared>>
      %dma_wait3A_240 = arith.constant 0 : i32
      %dma_wait3A_241 = tpu.memref_slice %arg11[%add3A_90, %dma_wait3A_240] : memref<10240x128xf32, #tpu.memory_space<vmem_shared>> -> memref<128x128xf32, #tpu.memory_space<vmem_shared>>
      tpu.wait_dma2 semaphore(%run_scoped3A_233 : memref<!tpu.dma_semaphore, #tpu.memory_space<semaphore_mem>>) src(%arg8 : memref<128x128xf32, #tpu.memory_space<vmem>>) dst(%dma_wait3A_241 : memref<128x128xf32, #tpu.memory_space<vmem_shared>>)
      tpu.yield
    }) : () -> ()
    %mul3A_91 = arith.constant 640 : i32
    %mul3A_92 = arith.muli %arg1, %mul3A_91 : i32
    %add3A_93 = arith.constant 512 : i32
    %add3A_94 = arith.addi %mul3A_92, %add3A_93 : i32
    %run_scoped3A_95 = arith.constant 4 : i32
    "tpu.region"() ({
      %run_scoped3A_233 = tpu.sem_alloc : memref<!tpu.dma_semaphore, #tpu.memory_space<semaphore_mem>>
      %dma_start3A_234 = arith.constant 0 : i32
      %dma_start3A_235 = tpu.memref_slice %arg8[%run_scoped3A_95, %dma_start3A_234] : memref<128x128xf32, #tpu.memory_space<vmem>> -> memref<1x128xf32, #tpu.memory_space<vmem>>
      %dma_start3A_236 = tpu.memref_squeeze %dma_start3A_235 : memref<1x128xf32, #tpu.memory_space<vmem>> -> memref<128xf32, #tpu.memory_space<vmem>>
      %dma_start3A_237 = tpu.memref_slice %arg12[%add3A_94] : memref<10240xf32, #tpu.memory_space<vmem_shared>> -> memref<128xf32, #tpu.memory_space<vmem_shared>>
      %dma_start3A_238 = tpu.memref_slice %arg12[%add3A_94] : memref<10240xf32, #tpu.memory_space<vmem_shared>> -> memref<128xf32, #tpu.memory_space<vmem_shared>>
      %dma_start3A_239 = arith.constant 0 : i32
      %dma_start3A_240 = tpu.memref_slice %arg8[%run_scoped3A_95, %dma_start3A_239] : memref<128x128xf32, #tpu.memory_space<vmem>> -> memref<1x128xf32, #tpu.memory_space<vmem>>
      %dma_start3A_241 = tpu.memref_squeeze %dma_start3A_240 : memref<1x128xf32, #tpu.memory_space<vmem>> -> memref<128xf32, #tpu.memory_space<vmem>>
      tpu.enqueue_dma source(%dma_start3A_241 : memref<128xf32, #tpu.memory_space<vmem>>) target(%dma_start3A_238 : memref<128xf32, #tpu.memory_space<vmem_shared>>) target_semaphore(%run_scoped3A_233 : memref<!tpu.dma_semaphore, #tpu.memory_space<semaphore_mem>>)
      %dma_wait3A_242 = arith.constant 0 : i32
      %dma_wait3A_243 = tpu.memref_slice %arg8[%run_scoped3A_95, %dma_wait3A_242] : memref<128x128xf32, #tpu.memory_space<vmem>> -> memref<1x128xf32, #tpu.memory_space<vmem>>
      %dma_wait3A_244 = tpu.memref_squeeze %dma_wait3A_243 : memref<1x128xf32, #tpu.memory_space<vmem>> -> memref<128xf32, #tpu.memory_space<vmem>>
      %dma_wait3A_245 = tpu.memref_slice %arg12[%add3A_94] : memref<10240xf32, #tpu.memory_space<vmem_shared>> -> memref<128xf32, #tpu.memory_space<vmem_shared>>
      %dma_wait3A_246 = tpu.memref_slice %arg12[%add3A_94] : memref<10240xf32, #tpu.memory_space<vmem_shared>> -> memref<128xf32, #tpu.memory_space<vmem_shared>>
      %dma_wait3A_247 = arith.constant 0 : i32
      %dma_wait3A_248 = tpu.memref_slice %arg8[%run_scoped3A_95, %dma_wait3A_247] : memref<128x128xf32, #tpu.memory_space<vmem>> -> memref<1x128xf32, #tpu.memory_space<vmem>>
      %dma_wait3A_249 = tpu.memref_squeeze %dma_wait3A_248 : memref<1x128xf32, #tpu.memory_space<vmem>> -> memref<128xf32, #tpu.memory_space<vmem>>
      tpu.wait_dma2 semaphore(%run_scoped3A_233 : memref<!tpu.dma_semaphore, #tpu.memory_space<semaphore_mem>>) src(%dma_wait3A_249 : memref<128xf32, #tpu.memory_space<vmem>>) dst(%dma_wait3A_246 : memref<128xf32, #tpu.memory_space<vmem_shared>>)
      tpu.yield
    }) : () -> ()
    %barrier3A = arith.constant 0 : index
    tpu.barrier barrier_id(%barrier3A)
    %scan3A_96 = arith.constant 0 : i32
    %scan3A_97 = arith.constant 0 : i32
    %scan3A_98 = arith.constant 2 : i32
    %scan3A_99 = arith.addi %scan3A_97, %scan3A_98 : i32
    %scan3A_100 = arith.constant 1 : i32
    scf.for %scan3A_233 = %scan3A_97 to %scan3A_99 step %scan3A_100  : i32 {
      %mul3A_234 = arith.constant 40 : i32
      %mul3A_235 = arith.muli %scan3A_233, %mul3A_234 : i32
      %run_scoped3A_236 = arith.constant 0 : i32
      "tpu.region"() ({
        %run_scoped3A_259 = tpu.sem_alloc : memref<!tpu.dma_semaphore, #tpu.memory_space<semaphore_mem>>
        %dma_start3A_260 = arith.constant 0 : i32
        %dma_start3A_261 = tpu.memref_slice %arg3[%run_scoped3A_236, %add3A, %mul3A_235, %dma_start3A_260] : memref<2x32x80x128xi32, #tpu.memory_space<hbm>> -> memref<1x1x40x128xi32, #tpu.memory_space<hbm>>
        %dma_start3A_262 = tpu.memref_squeeze %dma_start3A_261 : memref<1x1x40x128xi32, #tpu.memory_space<hbm>> -> memref<40x128xi32, #tpu.memory_space<hbm>>
        %dma_start3A_263 = arith.constant 0 : i32
        %dma_start3A_264 = tpu.memref_slice %arg3[%run_scoped3A_236, %add3A, %mul3A_235, %dma_start3A_263] : memref<2x32x80x128xi32, #tpu.memory_space<hbm>> -> memref<1x1x40x128xi32, #tpu.memory_space<hbm>>
        %dma_start3A_265 = tpu.memref_squeeze %dma_start3A_264 : memref<1x1x40x128xi32, #tpu.memory_space<hbm>> -> memref<40x128xi32, #tpu.memory_space<hbm>>
        tpu.enqueue_dma source(%dma_start3A_265 : memref<40x128xi32, #tpu.memory_space<hbm>>) target(%arg6 : memref<40x128xi32, #tpu.memory_space<vmem>>) target_semaphore(%run_scoped3A_259 : memref<!tpu.dma_semaphore, #tpu.memory_space<semaphore_mem>>)
        %dma_wait3A_266 = arith.constant 0 : i32
        %dma_wait3A_267 = tpu.memref_slice %arg3[%run_scoped3A_236, %add3A, %mul3A_235, %dma_wait3A_266] : memref<2x32x80x128xi32, #tpu.memory_space<hbm>> -> memref<1x1x40x128xi32, #tpu.memory_space<hbm>>
        %dma_wait3A_268 = tpu.memref_squeeze %dma_wait3A_267 : memref<1x1x40x128xi32, #tpu.memory_space<hbm>> -> memref<40x128xi32, #tpu.memory_space<hbm>>
        %dma_wait3A_269 = arith.constant 0 : i32
        %dma_wait3A_270 = tpu.memref_slice %arg3[%run_scoped3A_236, %add3A, %mul3A_235, %dma_wait3A_269] : memref<2x32x80x128xi32, #tpu.memory_space<hbm>> -> memref<1x1x40x128xi32, #tpu.memory_space<hbm>>
        %dma_wait3A_271 = tpu.memref_squeeze %dma_wait3A_270 : memref<1x1x40x128xi32, #tpu.memory_space<hbm>> -> memref<40x128xi32, #tpu.memory_space<hbm>>
        tpu.wait_dma2 semaphore(%run_scoped3A_259 : memref<!tpu.dma_semaphore, #tpu.memory_space<semaphore_mem>>) src(%dma_wait3A_271 : memref<40x128xi32, #tpu.memory_space<hbm>>) dst(%arg6 : memref<40x128xi32, #tpu.memory_space<vmem>>)
        tpu.yield
      }) : () -> ()
      %mul3A_237 = arith.constant 40 : i32
      %mul3A_238 = arith.muli %scan3A_233, %mul3A_237 : i32
      %run_scoped3A_239 = arith.constant 1 : i32
      "tpu.region"() ({
        %run_scoped3A_259 = tpu.sem_alloc : memref<!tpu.dma_semaphore, #tpu.memory_space<semaphore_mem>>
        %dma_start3A_260 = arith.constant 0 : i32
        %dma_start3A_261 = tpu.memref_slice %arg3[%run_scoped3A_239, %add3A, %mul3A_238, %dma_start3A_260] : memref<2x32x80x128xi32, #tpu.memory_space<hbm>> -> memref<1x1x40x128xi32, #tpu.memory_space<hbm>>
        %dma_start3A_262 = tpu.memref_squeeze %dma_start3A_261 : memref<1x1x40x128xi32, #tpu.memory_space<hbm>> -> memref<40x128xi32, #tpu.memory_space<hbm>>
        %dma_start3A_263 = arith.constant 0 : i32
        %dma_start3A_264 = tpu.memref_slice %arg3[%run_scoped3A_239, %add3A, %mul3A_238, %dma_start3A_263] : memref<2x32x80x128xi32, #tpu.memory_space<hbm>> -> memref<1x1x40x128xi32, #tpu.memory_space<hbm>>
        %dma_start3A_265 = tpu.memref_squeeze %dma_start3A_264 : memref<1x1x40x128xi32, #tpu.memory_space<hbm>> -> memref<40x128xi32, #tpu.memory_space<hbm>>
        tpu.enqueue_dma source(%dma_start3A_265 : memref<40x128xi32, #tpu.memory_space<hbm>>) target(%arg7 : memref<40x128xi32, #tpu.memory_space<vmem>>) target_semaphore(%run_scoped3A_259 : memref<!tpu.dma_semaphore, #tpu.memory_space<semaphore_mem>>)
        %dma_wait3A_266 = arith.constant 0 : i32
        %dma_wait3A_267 = tpu.memref_slice %arg3[%run_scoped3A_239, %add3A, %mul3A_238, %dma_wait3A_266] : memref<2x32x80x128xi32, #tpu.memory_space<hbm>> -> memref<1x1x40x128xi32, #tpu.memory_space<hbm>>
        %dma_wait3A_268 = tpu.memref_squeeze %dma_wait3A_267 : memref<1x1x40x128xi32, #tpu.memory_space<hbm>> -> memref<40x128xi32, #tpu.memory_space<hbm>>
        %dma_wait3A_269 = arith.constant 0 : i32
        %dma_wait3A_270 = tpu.memref_slice %arg3[%run_scoped3A_239, %add3A, %mul3A_238, %dma_wait3A_269] : memref<2x32x80x128xi32, #tpu.memory_space<hbm>> -> memref<1x1x40x128xi32, #tpu.memory_space<hbm>>
        %dma_wait3A_271 = tpu.memref_squeeze %dma_wait3A_270 : memref<1x1x40x128xi32, #tpu.memory_space<hbm>> -> memref<40x128xi32, #tpu.memory_space<hbm>>
        tpu.wait_dma2 semaphore(%run_scoped3A_259 : memref<!tpu.dma_semaphore, #tpu.memory_space<semaphore_mem>>) src(%dma_wait3A_271 : memref<40x128xi32, #tpu.memory_space<hbm>>) dst(%arg7 : memref<40x128xi32, #tpu.memory_space<vmem>>)
        tpu.yield
      }) : () -> ()
      %dma_start3A_240 = arith.constant 0 : i32
      %dma_start3A_241 = arith.constant 0 : i32
      %dma_start3A_242 = tpu.memref_slice %arg6[%dma_start3A_240, %dma_start3A_241] : memref<40x128xi32, #tpu.memory_space<vmem>> -> memref<1x128xi32, #tpu.memory_space<vmem>>
      %dma_start3A_243 = tpu.memref_squeeze %dma_start3A_242 : memref<1x128xi32, #tpu.memory_space<vmem>> -> memref<128xi32, #tpu.memory_space<vmem>>
      %dma_start3A_244 = arith.constant 0 : i32
      %dma_start3A_245 = arith.constant 0 : i32
      %dma_start3A_246 = tpu.memref_slice %arg2[%dma_start3A_244, %dma_start3A_245] : memref<10000x128xf32, #tpu.memory_space<hbm>> -> memref<10000x128xf32, #tpu.memory_space<hbm>>
      tpu.enqueue_indirect_dma source(%dma_start3A_246 : memref<10000x128xf32, #tpu.memory_space<hbm>>) target(%arg8 : memref<128x128xf32, #tpu.memory_space<vmem>>) offsets(%dma_start3A_243 : memref<128xi32, #tpu.memory_space<vmem>>) semaphore(%arg13 : memref<!tpu.dma_semaphore, #tpu.memory_space<semaphore_mem>>)
      %scan3A_247 = arith.constant 0 : i32
      %scan3A_248 = arith.constant 0 : i32
      %scan3A_249 = arith.constant 20 : i32
      %scan3A_250 = arith.addi %scan3A_248, %scan3A_249 : i32
      %scan3A_251 = arith.constant 1 : i32
      scf.for %scan3A_259 = %scan3A_248 to %scan3A_250 step %scan3A_251  : i32 {
        %mul3A_260 = arith.constant 2 : i32
        %mul3A_261 = arith.muli %mul3A_260, %scan3A_259 : i32
        %add3A_262 = arith.constant 1 : i32
        %add3A_263 = arith.addi %mul3A_261, %add3A_262 : i32
        %dma_start3A_264 = arith.constant 0 : i32
        %dma_start3A_265 = tpu.memref_slice %arg6[%add3A_263, %dma_start3A_264] : memref<40x128xi32, #tpu.memory_space<vmem>> -> memref<1x128xi32, #tpu.memory_space<vmem>>
        %dma_start3A_266 = tpu.memref_squeeze %dma_start3A_265 : memref<1x128xi32, #tpu.memory_space<vmem>> -> memref<128xi32, #tpu.memory_space<vmem>>
        %dma_start3A_267 = arith.constant 0 : i32
        %dma_start3A_268 = arith.constant 0 : i32
        %dma_start3A_269 = tpu.memref_slice %arg2[%dma_start3A_267, %dma_start3A_268] : memref<10000x128xf32, #tpu.memory_space<hbm>> -> memref<10000x128xf32, #tpu.memory_space<hbm>>
        tpu.enqueue_indirect_dma source(%dma_start3A_269 : memref<10000x128xf32, #tpu.memory_space<hbm>>) target(%arg9 : memref<128x128xf32, #tpu.memory_space<vmem>>) offsets(%dma_start3A_266 : memref<128xi32, #tpu.memory_space<vmem>>) semaphore(%arg14 : memref<!tpu.dma_semaphore, #tpu.memory_space<semaphore_mem>>)
        %dma_start3A_270 = arith.constant 0 : i32
        %dma_start3A_271 = tpu.memref_slice %arg7[%mul3A_261, %dma_start3A_270] : memref<40x128xi32, #tpu.memory_space<vmem>> -> memref<1x128xi32, #tpu.memory_space<vmem>>
        %dma_start3A_272 = tpu.memref_squeeze %dma_start3A_271 : memref<1x128xi32, #tpu.memory_space<vmem>> -> memref<128xi32, #tpu.memory_space<vmem>>
        %dma_start3A_273 = arith.constant 0 : i32
        %dma_start3A_274 = tpu.memref_slice %arg12[%dma_start3A_273] : memref<10240xf32, #tpu.memory_space<vmem_shared>> -> memref<10240xf32, #tpu.memory_space<vmem_shared>>
        tpu.enqueue_indirect_dma source(%arg10 : memref<128xf32, #tpu.memory_space<vmem>>) target(%dma_start3A_274 : memref<10240xf32, #tpu.memory_space<vmem_shared>>) offsets(%dma_start3A_272 : memref<128xi32, #tpu.memory_space<vmem>>) semaphore(%arg15 : memref<!tpu.dma_semaphore, #tpu.memory_space<semaphore_mem>>) {add = true}
        %dma_wait3A_275 = arith.constant 0 : i32
        %dma_wait3A_276 = tpu.memref_slice %arg6[%mul3A_261, %dma_wait3A_275] : memref<40x128xi32, #tpu.memory_space<vmem>> -> memref<1x128xi32, #tpu.memory_space<vmem>>
        %dma_wait3A_277 = tpu.memref_squeeze %dma_wait3A_276 : memref<1x128xi32, #tpu.memory_space<vmem>> -> memref<128xi32, #tpu.memory_space<vmem>>
        %dma_wait3A_278 = arith.constant 0 : i32
        %dma_wait3A_279 = arith.constant 0 : i32
        %dma_wait3A_280 = tpu.memref_slice %arg2[%dma_wait3A_278, %dma_wait3A_279] : memref<10000x128xf32, #tpu.memory_space<hbm>> -> memref<10000x128xf32, #tpu.memory_space<hbm>>
        tpu.wait_indirect_dma semaphore(%arg13 : memref<!tpu.dma_semaphore, #tpu.memory_space<semaphore_mem>>) src(%dma_wait3A_280 : memref<10000x128xf32, #tpu.memory_space<hbm>>) dst(%arg8 : memref<128x128xf32, #tpu.memory_space<vmem>>)
        "tpu.region"() ({
          %run_scoped3A_302 = tpu.sem_alloc : memref<!tpu.dma_semaphore, #tpu.memory_space<semaphore_mem>>
          %dma_start3A_303 = arith.constant 0 : i32
          %dma_start3A_304 = tpu.memref_slice %arg7[%mul3A_261, %dma_start3A_303] : memref<40x128xi32, #tpu.memory_space<vmem>> -> memref<1x128xi32, #tpu.memory_space<vmem>>
          %dma_start3A_305 = tpu.memref_squeeze %dma_start3A_304 : memref<1x128xi32, #tpu.memory_space<vmem>> -> memref<128xi32, #tpu.memory_space<vmem>>
          %dma_start3A_306 = arith.constant 0 : i32
          %dma_start3A_307 = arith.constant 0 : i32
          %dma_start3A_308 = tpu.memref_slice %arg11[%dma_start3A_306, %dma_start3A_307] : memref<10240x128xf32, #tpu.memory_space<vmem_shared>> -> memref<10240x128xf32, #tpu.memory_space<vmem_shared>>
          tpu.enqueue_indirect_dma source(%arg8 : memref<128x128xf32, #tpu.memory_space<vmem>>) target(%dma_start3A_308 : memref<10240x128xf32, #tpu.memory_space<vmem_shared>>) offsets(%dma_start3A_305 : memref<128xi32, #tpu.memory_space<vmem>>) semaphore(%run_scoped3A_302 : memref<!tpu.dma_semaphore, #tpu.memory_space<semaphore_mem>>) {add = true}
          %dma_wait3A_309 = arith.constant 0 : i32
          %dma_wait3A_310 = tpu.memref_slice %arg7[%mul3A_261, %dma_wait3A_309] : memref<40x128xi32, #tpu.memory_space<vmem>> -> memref<1x128xi32, #tpu.memory_space<vmem>>
          %dma_wait3A_311 = tpu.memref_squeeze %dma_wait3A_310 : memref<1x128xi32, #tpu.memory_space<vmem>> -> memref<128xi32, #tpu.memory_space<vmem>>
          %dma_wait3A_312 = arith.constant 0 : i32
          %dma_wait3A_313 = arith.constant 0 : i32
          %dma_wait3A_314 = tpu.memref_slice %arg11[%dma_wait3A_312, %dma_wait3A_313] : memref<10240x128xf32, #tpu.memory_space<vmem_shared>> -> memref<10240x128xf32, #tpu.memory_space<vmem_shared>>
          tpu.wait_indirect_dma semaphore(%run_scoped3A_302 : memref<!tpu.dma_semaphore, #tpu.memory_space<semaphore_mem>>) src(%arg8 : memref<128x128xf32, #tpu.memory_space<vmem>>) dst(%dma_wait3A_314 : memref<10240x128xf32, #tpu.memory_space<vmem_shared>>)
          tpu.yield
        }) : () -> ()
        %add3A_281 = arith.constant 1 : i32
        %add3A_282 = arith.addi %scan3A_259, %add3A_281 : i32
        %lt3A = arith.constant 20 : i32
        %lt3A_283 = arith.cmpi slt, %add3A_282, %lt3A : i32
        %convert_element_type3A = arith.extui %lt3A_283 : i1 to i32
        %cond3A = arith.constant 0 : i32
        %cond3A_284 = arith.cmpi ne, %convert_element_type3A, %cond3A : i32
        scf.if %cond3A_284 {
          %add3A_302 = arith.constant 2 : i32
          %add3A_303 = arith.addi %mul3A_261, %add3A_302 : i32
          %dma_start3A_304 = arith.constant 0 : i32
          %dma_start3A_305 = tpu.memref_slice %arg6[%add3A_303, %dma_start3A_304] : memref<40x128xi32, #tpu.memory_space<vmem>> -> memref<1x128xi32, #tpu.memory_space<vmem>>
          %dma_start3A_306 = tpu.memref_squeeze %dma_start3A_305 : memref<1x128xi32, #tpu.memory_space<vmem>> -> memref<128xi32, #tpu.memory_space<vmem>>
          %dma_start3A_307 = arith.constant 0 : i32
          %dma_start3A_308 = arith.constant 0 : i32
          %dma_start3A_309 = tpu.memref_slice %arg2[%dma_start3A_307, %dma_start3A_308] : memref<10000x128xf32, #tpu.memory_space<hbm>> -> memref<10000x128xf32, #tpu.memory_space<hbm>>
          tpu.enqueue_indirect_dma source(%dma_start3A_309 : memref<10000x128xf32, #tpu.memory_space<hbm>>) target(%arg8 : memref<128x128xf32, #tpu.memory_space<vmem>>) offsets(%dma_start3A_306 : memref<128xi32, #tpu.memory_space<vmem>>) semaphore(%arg13 : memref<!tpu.dma_semaphore, #tpu.memory_space<semaphore_mem>>)
        } else {
        }
        %add3A_285 = arith.constant 1 : i32
        %add3A_286 = arith.addi %mul3A_261, %add3A_285 : i32
        %dma_start3A_287 = arith.constant 0 : i32
        %dma_start3A_288 = tpu.memref_slice %arg7[%add3A_286, %dma_start3A_287] : memref<40x128xi32, #tpu.memory_space<vmem>> -> memref<1x128xi32, #tpu.memory_space<vmem>>
        %dma_start3A_289 = tpu.memref_squeeze %dma_start3A_288 : memref<1x128xi32, #tpu.memory_space<vmem>> -> memref<128xi32, #tpu.memory_space<vmem>>
        %dma_start3A_290 = arith.constant 0 : i32
        %dma_start3A_291 = tpu.memref_slice %arg12[%dma_start3A_290] : memref<10240xf32, #tpu.memory_space<vmem_shared>> -> memref<10240xf32, #tpu.memory_space<vmem_shared>>
        tpu.enqueue_indirect_dma source(%arg10 : memref<128xf32, #tpu.memory_space<vmem>>) target(%dma_start3A_291 : memref<10240xf32, #tpu.memory_space<vmem_shared>>) offsets(%dma_start3A_289 : memref<128xi32, #tpu.memory_space<vmem>>) semaphore(%arg15 : memref<!tpu.dma_semaphore, #tpu.memory_space<semaphore_mem>>) {add = true}
        %add3A_292 = arith.constant 1 : i32
        %add3A_293 = arith.addi %mul3A_261, %add3A_292 : i32
        %dma_wait3A_294 = arith.constant 0 : i32
        %dma_wait3A_295 = tpu.memref_slice %arg6[%add3A_293, %dma_wait3A_294] : memref<40x128xi32, #tpu.memory_space<vmem>> -> memref<1x128xi32, #tpu.memory_space<vmem>>
        %dma_wait3A_296 = tpu.memref_squeeze %dma_wait3A_295 : memref<1x128xi32, #tpu.memory_space<vmem>> -> memref<128xi32, #tpu.memory_space<vmem>>
        %dma_wait3A_297 = arith.constant 0 : i32
        %dma_wait3A_298 = arith.constant 0 : i32
        %dma_wait3A_299 = tpu.memref_slice %arg2[%dma_wait3A_297, %dma_wait3A_298] : memref<10000x128xf32, #tpu.memory_space<hbm>> -> memref<10000x128xf32, #tpu.memory_space<hbm>>
        tpu.wait_indirect_dma semaphore(%arg14 : memref<!tpu.dma_semaphore, #tpu.memory_space<semaphore_mem>>) src(%dma_wait3A_299 : memref<10000x128xf32, #tpu.memory_space<hbm>>) dst(%arg9 : memref<128x128xf32, #tpu.memory_space<vmem>>)
        %add3A_300 = arith.constant 1 : i32
        %add3A_301 = arith.addi %mul3A_261, %add3A_300 : i32
        "tpu.region"() ({
          %run_scoped3A_302 = tpu.sem_alloc : memref<!tpu.dma_semaphore, #tpu.memory_space<semaphore_mem>>
          %dma_start3A_303 = arith.constant 0 : i32
          %dma_start3A_304 = tpu.memref_slice %arg7[%add3A_301, %dma_start3A_303] : memref<40x128xi32, #tpu.memory_space<vmem>> -> memref<1x128xi32, #tpu.memory_space<vmem>>
          %dma_start3A_305 = tpu.memref_squeeze %dma_start3A_304 : memref<1x128xi32, #tpu.memory_space<vmem>> -> memref<128xi32, #tpu.memory_space<vmem>>
          %dma_start3A_306 = arith.constant 0 : i32
          %dma_start3A_307 = arith.constant 0 : i32
          %dma_start3A_308 = tpu.memref_slice %arg11[%dma_start3A_306, %dma_start3A_307] : memref<10240x128xf32, #tpu.memory_space<vmem_shared>> -> memref<10240x128xf32, #tpu.memory_space<vmem_shared>>
          tpu.enqueue_indirect_dma source(%arg9 : memref<128x128xf32, #tpu.memory_space<vmem>>) target(%dma_start3A_308 : memref<10240x128xf32, #tpu.memory_space<vmem_shared>>) offsets(%dma_start3A_305 : memref<128xi32, #tpu.memory_space<vmem>>) semaphore(%run_scoped3A_302 : memref<!tpu.dma_semaphore, #tpu.memory_space<semaphore_mem>>) {add = true}
          %dma_wait3A_309 = arith.constant 0 : i32
          %dma_wait3A_310 = tpu.memref_slice %arg7[%add3A_301, %dma_wait3A_309] : memref<40x128xi32, #tpu.memory_space<vmem>> -> memref<1x128xi32, #tpu.memory_space<vmem>>
          %dma_wait3A_311 = tpu.memref_squeeze %dma_wait3A_310 : memref<1x128xi32, #tpu.memory_space<vmem>> -> memref<128xi32, #tpu.memory_space<vmem>>
          %dma_wait3A_312 = arith.constant 0 : i32
          %dma_wait3A_313 = arith.constant 0 : i32
          %dma_wait3A_314 = tpu.memref_slice %arg11[%dma_wait3A_312, %dma_wait3A_313] : memref<10240x128xf32, #tpu.memory_space<vmem_shared>> -> memref<10240x128xf32, #tpu.memory_space<vmem_shared>>
          tpu.wait_indirect_dma semaphore(%run_scoped3A_302 : memref<!tpu.dma_semaphore, #tpu.memory_space<semaphore_mem>>) src(%arg9 : memref<128x128xf32, #tpu.memory_space<vmem>>) dst(%dma_wait3A_314 : memref<10240x128xf32, #tpu.memory_space<vmem_shared>>)
          tpu.yield
        }) : () -> ()
      }
      %scan3A_252 = arith.constant 20 : i32
      %scan3A_253 = arith.constant 0 : i32
      %scan3A_254 = arith.constant 0 : i32
      %scan3A_255 = arith.constant 40 : i32
      %scan3A_256 = arith.addi %scan3A_254, %scan3A_255 : i32
      %scan3A_257 = arith.constant 1 : i32
      scf.for %scan3A_259 = %scan3A_254 to %scan3A_256 step %scan3A_257  : i32 {
        %dma_wait3A_260 = arith.constant 0 : i32
        %dma_wait3A_261 = arith.constant 0 : i32
        %dma_wait3A_262 = tpu.memref_slice %arg7[%dma_wait3A_260, %dma_wait3A_261] : memref<40x128xi32, #tpu.memory_space<vmem>> -> memref<1x128xi32, #tpu.memory_space<vmem>>
        %dma_wait3A_263 = tpu.memref_squeeze %dma_wait3A_262 : memref<1x128xi32, #tpu.memory_space<vmem>> -> memref<128xi32, #tpu.memory_space<vmem>>
        %dma_wait3A_264 = arith.constant 0 : i32
        %dma_wait3A_265 = tpu.memref_slice %arg12[%dma_wait3A_264] : memref<10240xf32, #tpu.memory_space<vmem_shared>> -> memref<10240xf32, #tpu.memory_space<vmem_shared>>
        tpu.wait_indirect_dma semaphore(%arg15 : memref<!tpu.dma_semaphore, #tpu.memory_space<semaphore_mem>>) src(%arg10 : memref<128xf32, #tpu.memory_space<vmem>>) dst(%dma_wait3A_265 : memref<10240xf32, #tpu.memory_space<vmem_shared>>)
      }
      %scan3A_258 = arith.constant 40 : i32
    }
    %scan3A_101 = arith.constant 2 : i32
    %barrier3A_102 = arith.constant 0 : index
    tpu.barrier barrier_id(%barrier3A_102)
    %mul3A_103 = arith.constant 640 : i32
    %mul3A_104 = arith.muli %arg1, %mul3A_103 : i32
    %add3A_105 = arith.constant 0 : i32
    %add3A_106 = arith.addi %mul3A_104, %add3A_105 : i32
    %mul3A_107 = arith.constant 80 : i32
    %mul3A_108 = arith.muli %arg0, %mul3A_107 : i32
    %mul3A_109 = arith.constant 5 : i32
    %mul3A_110 = arith.muli %arg1, %mul3A_109 : i32
    %add3A_111 = arith.addi %mul3A_108, %mul3A_110 : i32
    %add3A_112 = arith.constant 0 : i32
    %add3A_113 = arith.addi %add3A_111, %add3A_112 : i32
    %dma_start3A = arith.constant 0 : i32
    %dma_start3A_114 = tpu.memref_slice %arg5[%add3A_113, %dma_start3A] : memref<160x128xf32, #tpu.memory_space<hbm>> -> memref<1x128xf32, #tpu.memory_space<hbm>>
    %dma_start3A_115 = tpu.memref_squeeze %dma_start3A_114 : memref<1x128xf32, #tpu.memory_space<hbm>> -> memref<128xf32, #tpu.memory_space<hbm>>
    %dma_start3A_116 = tpu.memref_slice %arg12[%add3A_106] : memref<10240xf32, #tpu.memory_space<vmem_shared>> -> memref<128xf32, #tpu.memory_space<vmem_shared>>
    tpu.enqueue_dma source(%dma_start3A_116 : memref<128xf32, #tpu.memory_space<vmem_shared>>) target(%dma_start3A_115 : memref<128xf32, #tpu.memory_space<hbm>>) target_semaphore(%arg15 : memref<!tpu.dma_semaphore, #tpu.memory_space<semaphore_mem>>)
    %add3A_117 = arith.constant 128 : i32
    %add3A_118 = arith.addi %mul3A_104, %add3A_117 : i32
    %mul3A_119 = arith.constant 80 : i32
    %mul3A_120 = arith.muli %arg0, %mul3A_119 : i32
    %mul3A_121 = arith.constant 5 : i32
    %mul3A_122 = arith.muli %arg1, %mul3A_121 : i32
    %add3A_123 = arith.addi %mul3A_120, %mul3A_122 : i32
    %add3A_124 = arith.constant 1 : i32
    %add3A_125 = arith.addi %add3A_123, %add3A_124 : i32
    %dma_start3A_126 = arith.constant 0 : i32
    %dma_start3A_127 = tpu.memref_slice %arg5[%add3A_125, %dma_start3A_126] : memref<160x128xf32, #tpu.memory_space<hbm>> -> memref<1x128xf32, #tpu.memory_space<hbm>>
    %dma_start3A_128 = tpu.memref_squeeze %dma_start3A_127 : memref<1x128xf32, #tpu.memory_space<hbm>> -> memref<128xf32, #tpu.memory_space<hbm>>
    %dma_start3A_129 = tpu.memref_slice %arg12[%add3A_118] : memref<10240xf32, #tpu.memory_space<vmem_shared>> -> memref<128xf32, #tpu.memory_space<vmem_shared>>
    tpu.enqueue_dma source(%dma_start3A_129 : memref<128xf32, #tpu.memory_space<vmem_shared>>) target(%dma_start3A_128 : memref<128xf32, #tpu.memory_space<hbm>>) target_semaphore(%arg15 : memref<!tpu.dma_semaphore, #tpu.memory_space<semaphore_mem>>)
    %add3A_130 = arith.constant 256 : i32
    %add3A_131 = arith.addi %mul3A_104, %add3A_130 : i32
    %mul3A_132 = arith.constant 80 : i32
    %mul3A_133 = arith.muli %arg0, %mul3A_132 : i32
    %mul3A_134 = arith.constant 5 : i32
    %mul3A_135 = arith.muli %arg1, %mul3A_134 : i32
    %add3A_136 = arith.addi %mul3A_133, %mul3A_135 : i32
    %add3A_137 = arith.constant 2 : i32
    %add3A_138 = arith.addi %add3A_136, %add3A_137 : i32
    %dma_start3A_139 = arith.constant 0 : i32
    %dma_start3A_140 = tpu.memref_slice %arg5[%add3A_138, %dma_start3A_139] : memref<160x128xf32, #tpu.memory_space<hbm>> -> memref<1x128xf32, #tpu.memory_space<hbm>>
    %dma_start3A_141 = tpu.memref_squeeze %dma_start3A_140 : memref<1x128xf32, #tpu.memory_space<hbm>> -> memref<128xf32, #tpu.memory_space<hbm>>
    %dma_start3A_142 = tpu.memref_slice %arg12[%add3A_131] : memref<10240xf32, #tpu.memory_space<vmem_shared>> -> memref<128xf32, #tpu.memory_space<vmem_shared>>
    tpu.enqueue_dma source(%dma_start3A_142 : memref<128xf32, #tpu.memory_space<vmem_shared>>) target(%dma_start3A_141 : memref<128xf32, #tpu.memory_space<hbm>>) target_semaphore(%arg15 : memref<!tpu.dma_semaphore, #tpu.memory_space<semaphore_mem>>)
    %add3A_143 = arith.constant 384 : i32
    %add3A_144 = arith.addi %mul3A_104, %add3A_143 : i32
    %mul3A_145 = arith.constant 80 : i32
    %mul3A_146 = arith.muli %arg0, %mul3A_145 : i32
    %mul3A_147 = arith.constant 5 : i32
    %mul3A_148 = arith.muli %arg1, %mul3A_147 : i32
    %add3A_149 = arith.addi %mul3A_146, %mul3A_148 : i32
    %add3A_150 = arith.constant 3 : i32
    %add3A_151 = arith.addi %add3A_149, %add3A_150 : i32
    %dma_start3A_152 = arith.constant 0 : i32
    %dma_start3A_153 = tpu.memref_slice %arg5[%add3A_151, %dma_start3A_152] : memref<160x128xf32, #tpu.memory_space<hbm>> -> memref<1x128xf32, #tpu.memory_space<hbm>>
    %dma_start3A_154 = tpu.memref_squeeze %dma_start3A_153 : memref<1x128xf32, #tpu.memory_space<hbm>> -> memref<128xf32, #tpu.memory_space<hbm>>
    %dma_start3A_155 = tpu.memref_slice %arg12[%add3A_144] : memref<10240xf32, #tpu.memory_space<vmem_shared>> -> memref<128xf32, #tpu.memory_space<vmem_shared>>
    tpu.enqueue_dma source(%dma_start3A_155 : memref<128xf32, #tpu.memory_space<vmem_shared>>) target(%dma_start3A_154 : memref<128xf32, #tpu.memory_space<hbm>>) target_semaphore(%arg15 : memref<!tpu.dma_semaphore, #tpu.memory_space<semaphore_mem>>)
    %add3A_156 = arith.constant 512 : i32
    %add3A_157 = arith.addi %mul3A_104, %add3A_156 : i32
    %mul3A_158 = arith.constant 80 : i32
    %mul3A_159 = arith.muli %arg0, %mul3A_158 : i32
    %mul3A_160 = arith.constant 5 : i32
    %mul3A_161 = arith.muli %arg1, %mul3A_160 : i32
    %add3A_162 = arith.addi %mul3A_159, %mul3A_161 : i32
    %add3A_163 = arith.constant 4 : i32
    %add3A_164 = arith.addi %add3A_162, %add3A_163 : i32
    %dma_start3A_165 = arith.constant 0 : i32
    %dma_start3A_166 = tpu.memref_slice %arg5[%add3A_164, %dma_start3A_165] : memref<160x128xf32, #tpu.memory_space<hbm>> -> memref<1x128xf32, #tpu.memory_space<hbm>>
    %dma_start3A_167 = tpu.memref_squeeze %dma_start3A_166 : memref<1x128xf32, #tpu.memory_space<hbm>> -> memref<128xf32, #tpu.memory_space<hbm>>
    %dma_start3A_168 = tpu.memref_slice %arg12[%add3A_157] : memref<10240xf32, #tpu.memory_space<vmem_shared>> -> memref<128xf32, #tpu.memory_space<vmem_shared>>
    tpu.enqueue_dma source(%dma_start3A_168 : memref<128xf32, #tpu.memory_space<vmem_shared>>) target(%dma_start3A_167 : memref<128xf32, #tpu.memory_space<hbm>>) target_semaphore(%arg15 : memref<!tpu.dma_semaphore, #tpu.memory_space<semaphore_mem>>)
    "tpu.region"() ({
      %run_scoped3A_233 = tpu.sem_alloc : memref<!tpu.dma_semaphore, #tpu.memory_space<semaphore_mem>>
      %dma_start3A_234 = arith.constant 0 : i32
      %dma_start3A_235 = tpu.memref_slice %arg4[%arg0, %mul3A_104, %dma_start3A_234] : memref<2x10240x128xf32, #tpu.memory_space<hbm>> -> memref<1x640x128xf32, #tpu.memory_space<hbm>>
      %dma_start3A_236 = tpu.memref_squeeze %dma_start3A_235 : memref<1x640x128xf32, #tpu.memory_space<hbm>> -> memref<640x128xf32, #tpu.memory_space<hbm>>
      %dma_start3A_237 = arith.constant 0 : i32
      %dma_start3A_238 = tpu.memref_slice %arg11[%mul3A_104, %dma_start3A_237] : memref<10240x128xf32, #tpu.memory_space<vmem_shared>> -> memref<640x128xf32, #tpu.memory_space<vmem_shared>>
      tpu.enqueue_dma source(%dma_start3A_238 : memref<640x128xf32, #tpu.memory_space<vmem_shared>>) target(%dma_start3A_236 : memref<640x128xf32, #tpu.memory_space<hbm>>) target_semaphore(%run_scoped3A_233 : memref<!tpu.dma_semaphore, #tpu.memory_space<semaphore_mem>>)
      %dma_wait3A_239 = arith.constant 0 : i32
      %dma_wait3A_240 = tpu.memref_slice %arg4[%arg0, %mul3A_104, %dma_wait3A_239] : memref<2x10240x128xf32, #tpu.memory_space<hbm>> -> memref<1x640x128xf32, #tpu.memory_space<hbm>>
      %dma_wait3A_241 = tpu.memref_squeeze %dma_wait3A_240 : memref<1x640x128xf32, #tpu.memory_space<hbm>> -> memref<640x128xf32, #tpu.memory_space<hbm>>
      %dma_wait3A_242 = arith.constant 0 : i32
      %dma_wait3A_243 = tpu.memref_slice %arg11[%mul3A_104, %dma_wait3A_242] : memref<10240x128xf32, #tpu.memory_space<vmem_shared>> -> memref<640x128xf32, #tpu.memory_space<vmem_shared>>
      tpu.wait_dma2 semaphore(%run_scoped3A_233 : memref<!tpu.dma_semaphore, #tpu.memory_space<semaphore_mem>>) src(%dma_wait3A_243 : memref<640x128xf32, #tpu.memory_space<vmem_shared>>) dst(%dma_wait3A_241 : memref<640x128xf32, #tpu.memory_space<hbm>>)
      tpu.yield
    }) : () -> ()
    %add3A_169 = arith.constant 0 : i32
    %add3A_170 = arith.addi %mul3A_104, %add3A_169 : i32
    %mul3A_171 = arith.constant 80 : i32
    %mul3A_172 = arith.muli %arg0, %mul3A_171 : i32
    %mul3A_173 = arith.constant 5 : i32
    %mul3A_174 = arith.muli %arg1, %mul3A_173 : i32
    %add3A_175 = arith.addi %mul3A_172, %mul3A_174 : i32
    %add3A_176 = arith.constant 0 : i32
    %add3A_177 = arith.addi %add3A_175, %add3A_176 : i32
    %dma_wait3A = arith.constant 0 : i32
    %dma_wait3A_178 = tpu.memref_slice %arg5[%add3A_177, %dma_wait3A] : memref<160x128xf32, #tpu.memory_space<hbm>> -> memref<1x128xf32, #tpu.memory_space<hbm>>
    %dma_wait3A_179 = tpu.memref_squeeze %dma_wait3A_178 : memref<1x128xf32, #tpu.memory_space<hbm>> -> memref<128xf32, #tpu.memory_space<hbm>>
    %dma_wait3A_180 = tpu.memref_slice %arg12[%add3A_170] : memref<10240xf32, #tpu.memory_space<vmem_shared>> -> memref<128xf32, #tpu.memory_space<vmem_shared>>
    tpu.wait_dma2 semaphore(%arg15 : memref<!tpu.dma_semaphore, #tpu.memory_space<semaphore_mem>>) src(%dma_wait3A_180 : memref<128xf32, #tpu.memory_space<vmem_shared>>) dst(%dma_wait3A_179 : memref<128xf32, #tpu.memory_space<hbm>>)
    %add3A_181 = arith.constant 128 : i32
    %add3A_182 = arith.addi %mul3A_104, %add3A_181 : i32
    %mul3A_183 = arith.constant 80 : i32
    %mul3A_184 = arith.muli %arg0, %mul3A_183 : i32
    %mul3A_185 = arith.constant 5 : i32
    %mul3A_186 = arith.muli %arg1, %mul3A_185 : i32
    %add3A_187 = arith.addi %mul3A_184, %mul3A_186 : i32
    %add3A_188 = arith.constant 1 : i32
    %add3A_189 = arith.addi %add3A_187, %add3A_188 : i32
    %dma_wait3A_190 = arith.constant 0 : i32
    %dma_wait3A_191 = tpu.memref_slice %arg5[%add3A_189, %dma_wait3A_190] : memref<160x128xf32, #tpu.memory_space<hbm>> -> memref<1x128xf32, #tpu.memory_space<hbm>>
    %dma_wait3A_192 = tpu.memref_squeeze %dma_wait3A_191 : memref<1x128xf32, #tpu.memory_space<hbm>> -> memref<128xf32, #tpu.memory_space<hbm>>
    %dma_wait3A_193 = tpu.memref_slice %arg12[%add3A_182] : memref<10240xf32, #tpu.memory_space<vmem_shared>> -> memref<128xf32, #tpu.memory_space<vmem_shared>>
    tpu.wait_dma2 semaphore(%arg15 : memref<!tpu.dma_semaphore, #tpu.memory_space<semaphore_mem>>) src(%dma_wait3A_193 : memref<128xf32, #tpu.memory_space<vmem_shared>>) dst(%dma_wait3A_192 : memref<128xf32, #tpu.memory_space<hbm>>)
    %add3A_194 = arith.constant 256 : i32
    %add3A_195 = arith.addi %mul3A_104, %add3A_194 : i32
    %mul3A_196 = arith.constant 80 : i32
    %mul3A_197 = arith.muli %arg0, %mul3A_196 : i32
    %mul3A_198 = arith.constant 5 : i32
    %mul3A_199 = arith.muli %arg1, %mul3A_198 : i32
    %add3A_200 = arith.addi %mul3A_197, %mul3A_199 : i32
    %add3A_201 = arith.constant 2 : i32
    %add3A_202 = arith.addi %add3A_200, %add3A_201 : i32
    %dma_wait3A_203 = arith.constant 0 : i32
    %dma_wait3A_204 = tpu.memref_slice %arg5[%add3A_202, %dma_wait3A_203] : memref<160x128xf32, #tpu.memory_space<hbm>> -> memref<1x128xf32, #tpu.memory_space<hbm>>
    %dma_wait3A_205 = tpu.memref_squeeze %dma_wait3A_204 : memref<1x128xf32, #tpu.memory_space<hbm>> -> memref<128xf32, #tpu.memory_space<hbm>>
    %dma_wait3A_206 = tpu.memref_slice %arg12[%add3A_195] : memref<10240xf32, #tpu.memory_space<vmem_shared>> -> memref<128xf32, #tpu.memory_space<vmem_shared>>
    tpu.wait_dma2 semaphore(%arg15 : memref<!tpu.dma_semaphore, #tpu.memory_space<semaphore_mem>>) src(%dma_wait3A_206 : memref<128xf32, #tpu.memory_space<vmem_shared>>) dst(%dma_wait3A_205 : memref<128xf32, #tpu.memory_space<hbm>>)
    %add3A_207 = arith.constant 384 : i32
    %add3A_208 = arith.addi %mul3A_104, %add3A_207 : i32
    %mul3A_209 = arith.constant 80 : i32
    %mul3A_210 = arith.muli %arg0, %mul3A_209 : i32
    %mul3A_211 = arith.constant 5 : i32
    %mul3A_212 = arith.muli %arg1, %mul3A_211 : i32
    %add3A_213 = arith.addi %mul3A_210, %mul3A_212 : i32
    %add3A_214 = arith.constant 3 : i32
    %add3A_215 = arith.addi %add3A_213, %add3A_214 : i32
    %dma_wait3A_216 = arith.constant 0 : i32
    %dma_wait3A_217 = tpu.memref_slice %arg5[%add3A_215, %dma_wait3A_216] : memref<160x128xf32, #tpu.memory_space<hbm>> -> memref<1x128xf32, #tpu.memory_space<hbm>>
    %dma_wait3A_218 = tpu.memref_squeeze %dma_wait3A_217 : memref<1x128xf32, #tpu.memory_space<hbm>> -> memref<128xf32, #tpu.memory_space<hbm>>
    %dma_wait3A_219 = tpu.memref_slice %arg12[%add3A_208] : memref<10240xf32, #tpu.memory_space<vmem_shared>> -> memref<128xf32, #tpu.memory_space<vmem_shared>>
    tpu.wait_dma2 semaphore(%arg15 : memref<!tpu.dma_semaphore, #tpu.memory_space<semaphore_mem>>) src(%dma_wait3A_219 : memref<128xf32, #tpu.memory_space<vmem_shared>>) dst(%dma_wait3A_218 : memref<128xf32, #tpu.memory_space<hbm>>)
    %add3A_220 = arith.constant 512 : i32
    %add3A_221 = arith.addi %mul3A_104, %add3A_220 : i32
    %mul3A_222 = arith.constant 80 : i32
    %mul3A_223 = arith.muli %arg0, %mul3A_222 : i32
    %mul3A_224 = arith.constant 5 : i32
    %mul3A_225 = arith.muli %arg1, %mul3A_224 : i32
    %add3A_226 = arith.addi %mul3A_223, %mul3A_225 : i32
    %add3A_227 = arith.constant 4 : i32
    %add3A_228 = arith.addi %add3A_226, %add3A_227 : i32
    %dma_wait3A_229 = arith.constant 0 : i32
    %dma_wait3A_230 = tpu.memref_slice %arg5[%add3A_228, %dma_wait3A_229] : memref<160x128xf32, #tpu.memory_space<hbm>> -> memref<1x128xf32, #tpu.memory_space<hbm>>
    %dma_wait3A_231 = tpu.memref_squeeze %dma_wait3A_230 : memref<1x128xf32, #tpu.memory_space<hbm>> -> memref<128xf32, #tpu.memory_space<hbm>>
    %dma_wait3A_232 = tpu.memref_slice %arg12[%add3A_221] : memref<10240xf32, #tpu.memory_space<vmem_shared>> -> memref<128xf32, #tpu.memory_space<vmem_shared>>
    tpu.wait_dma2 semaphore(%arg15 : memref<!tpu.dma_semaphore, #tpu.memory_space<semaphore_mem>>) src(%dma_wait3A_232 : memref<128xf32, #tpu.memory_space<vmem_shared>>) dst(%dma_wait3A_231 : memref<128xf32, #tpu.memory_space<hbm>>)
    return
  }
}

module attributes {stable_mosaic.version = 14 : i64} {
  func.func @_prep_body(%arg0: memref<2x320000xi32, #tpu.memory_space<vmem>>, %arg1: memref<2x32x80x128xi32, #tpu.memory_space<vmem>>) attributes {dimension_semantics = [], scalar_prefetch = 0 : i64, scratch_operands = 0 : i64, tpu.core_type = #tpu.core_type<tc>} {
    %iota3A = tpu.iota {dimensions = array<i32: 1>} : vector<2x7680xi32>
    %iota3A_0 = tpu.iota {dimensions = array<i32: 0>} : vector<2x7680xi32>
    %eq3A = arith.constant 0 : i32
    %eq3A_1 = vector.broadcast %eq3A : i32 to vector<2x7680xi32>
    %eq3A_2 = arith.cmpi eq, %iota3A_0, %eq3A_1 : vector<2x7680xi32>
    %mul3A = arith.constant 37 : i32
    %mul3A_3 = vector.broadcast %mul3A : i32 to vector<2x7680xi32>
    %mul3A_4 = arith.muli %iota3A, %mul3A_3 : vector<2x7680xi32>
    %jit3A = arith.constant 10000 : i32
    %eq3A_5 = arith.constant 0 : i32
    %eq3A_6 = arith.cmpi eq, %jit3A, %eq3A_5 : i32
    %jit3A_7 = arith.constant 1 : i32
    %select_n3A = arith.select %eq3A_6, %jit3A_7, %jit3A : i32
    %rem3A = vector.broadcast %select_n3A : i32 to vector<2x7680xi32>
    %rem3A_8 = arith.remsi %mul3A_4, %rem3A : vector<2x7680xi32>
    %ne3A = arith.constant 0 : i32
    %ne3A_9 = vector.broadcast %ne3A : i32 to vector<2x7680xi32>
    %ne3A_10 = arith.cmpi ne, %rem3A_8, %ne3A_9 : vector<2x7680xi32>
    %lt3A = arith.constant 0 : i32
    %lt3A_11 = vector.broadcast %lt3A : i32 to vector<2x7680xi32>
    %lt3A_12 = arith.cmpi slt, %rem3A_8, %lt3A_11 : vector<2x7680xi32>
    %lt3A_13 = arith.constant 0 : i32
    %lt3A_14 = arith.cmpi slt, %select_n3A, %lt3A_13 : i32
    %ne3A_15 = vector.broadcast %lt3A_14 : i1 to vector<2x7680xi1>
    %ne3A_16 = vector.broadcast %ne3A_15 : vector<2x7680xi1> to vector<2x7680xi1>
    %ne3A_17 = arith.xori %lt3A_12, %ne3A_16 : vector<2x7680xi1>
    %and3A = arith.andi %ne3A_17, %ne3A_10 : vector<2x7680xi1>
    %add3A = vector.broadcast %select_n3A : i32 to vector<2x7680xi32>
    %add3A_18 = arith.addi %rem3A_8, %add3A : vector<2x7680xi32>
    %select_n3A_19 = arith.select %and3A, %add3A_18, %rem3A_8 : vector<2x7680xi1>, vector<2x7680xi32>
    %jit3A_20 = arith.constant 240 : i32
    %eq3A_21 = arith.constant 0 : i32
    %eq3A_22 = arith.cmpi eq, %jit3A_20, %eq3A_21 : i32
    %jit3A_23 = arith.constant 1 : i32
    %select_n3A_24 = arith.select %eq3A_22, %jit3A_23, %jit3A_20 : i32
    %rem3A_25 = vector.broadcast %select_n3A_24 : i32 to vector<2x7680xi32>
    %rem3A_26 = arith.remsi %iota3A, %rem3A_25 : vector<2x7680xi32>
    %ne3A_27 = arith.constant 0 : i32
    %ne3A_28 = vector.broadcast %ne3A_27 : i32 to vector<2x7680xi32>
    %ne3A_29 = arith.cmpi ne, %rem3A_26, %ne3A_28 : vector<2x7680xi32>
    %lt3A_30 = arith.constant 0 : i32
    %lt3A_31 = vector.broadcast %lt3A_30 : i32 to vector<2x7680xi32>
    %lt3A_32 = arith.cmpi slt, %rem3A_26, %lt3A_31 : vector<2x7680xi32>
    %lt3A_33 = arith.constant 0 : i32
    %lt3A_34 = arith.cmpi slt, %select_n3A_24, %lt3A_33 : i32
    %ne3A_35 = vector.broadcast %lt3A_34 : i1 to vector<2x7680xi1>
    %ne3A_36 = vector.broadcast %ne3A_35 : vector<2x7680xi1> to vector<2x7680xi1>
    %ne3A_37 = arith.xori %lt3A_32, %ne3A_36 : vector<2x7680xi1>
    %and3A_38 = arith.andi %ne3A_37, %ne3A_29 : vector<2x7680xi1>
    %add3A_39 = vector.broadcast %select_n3A_24 : i32 to vector<2x7680xi32>
    %add3A_40 = arith.addi %rem3A_26, %add3A_39 : vector<2x7680xi32>
    %select_n3A_41 = arith.select %and3A_38, %add3A_40, %rem3A_26 : vector<2x7680xi1>, vector<2x7680xi32>
    %add3A_42 = arith.constant 10000 : i32
    %add3A_43 = vector.broadcast %add3A_42 : i32 to vector<2x7680xi32>
    %add3A_44 = arith.addi %add3A_43, %select_n3A_41 : vector<2x7680xi32>
    %select_n3A_45 = arith.select %eq3A_2, %select_n3A_19, %add3A_44 : vector<2x7680xi1>, vector<2x7680xi32>
    %get3A = arith.constant 0 : index
    %get3A_46 = arith.constant 0 : index
    %get3A_47 = vector.load %arg0[%get3A, %get3A_46] : memref<2x320000xi32, #tpu.memory_space<vmem>>, vector<2x320000xi32>
    %concatenate3A = tpu.concatenate %get3A_47, %select_n3A_45 in 1 : vector<2x320000xi32>, vector<2x7680xi32> -> vector<2x327680xi32>
    %reshape3A = vector.shape_cast %concatenate3A : vector<2x327680xi32> to vector<2x32x80x128xi32>
    %swap3A = arith.constant 0 : index
    %swap3A_48 = arith.constant 0 : index
    %swap3A_49 = arith.constant 0 : index
    %swap3A_50 = arith.constant 0 : index
    %swap3A_51 = vector.load %arg1[%swap3A, %swap3A_48, %swap3A_49, %swap3A_50] : memref<2x32x80x128xi32, #tpu.memory_space<vmem>>, vector<2x32x80x128xi32>
    tpu.vector_store %arg1[%swap3A, %swap3A_48, %swap3A_49, %swap3A_50], %reshape3A {strides = array<i32>} : memref<2x32x80x128xi32, #tpu.memory_space<vmem>>, vector<2x32x80x128xi32>,
    return
  }
}

module attributes {stable_mosaic.version = 14 : i64} {
  func.func @_finish_body(%arg0: i32, %arg1: memref<1x2048x128xf32, #tpu.memory_space<vmem>>, %arg2: memref<1x2048x128xf32, #tpu.memory_space<vmem>>, %arg3: memref<16x128xf32, #tpu.memory_space<vmem>>, %arg4: memref<16x128xf32, #tpu.memory_space<vmem>>, %arg5: memref<128x128xf32, #tpu.memory_space<vmem>>, %arg6: memref<128xf32, #tpu.memory_space<vmem>>, %arg7: memref<2048x128xf32, #tpu.memory_space<vmem>>) attributes {dimension_semantics = [#tpu.dimension_semantics<arbitrary>], iteration_bounds = array<i64: 5>, scalar_prefetch = 0 : i64, scratch_operands = 0 : i64, tpu.core_type = #tpu.core_type<tc>, window_params = [{transform_indices = @transform_0, window_bounds = array<i64: 1, 2048, 128>}, {transform_indices = @transform_1, window_bounds = array<i64: 1, 2048, 128>}, {transform_indices = @transform_2, window_bounds = array<i64: 16, 128>}, {transform_indices = @transform_3, window_bounds = array<i64: 16, 128>}, {pipeline_mode = #tpu.pipeline_mode<synchronous>, transform_indices = @transform_4, window_bounds = array<i64: 128, 128>}, {pipeline_mode = #tpu.pipeline_mode<synchronous>, transform_indices = @transform_5, window_bounds = array<i64: 128>}, {transform_indices = @transform_6, window_bounds = array<i64: 2048, 128>}]} {
    %get3A = arith.constant 0 : index
    %get3A_0 = arith.constant 0 : index
    %get3A_1 = arith.constant 0 : index
    %get3A_2 = vector.load %arg1[%get3A, %get3A_0, %get3A_1] : memref<1x2048x128xf32, #tpu.memory_space<vmem>>, vector<1x2048x128xf32>
    %get3A_3 = vector.shape_cast %get3A_2 : vector<1x2048x128xf32> to vector<2048x128xf32>
    %get3A_4 = arith.constant 0 : index
    %get3A_5 = arith.constant 0 : index
    %get3A_6 = arith.constant 0 : index
    %get3A_7 = vector.load %arg2[%get3A_4, %get3A_5, %get3A_6] : memref<1x2048x128xf32, #tpu.memory_space<vmem>>, vector<1x2048x128xf32>
    %get3A_8 = vector.shape_cast %get3A_7 : vector<1x2048x128xf32> to vector<2048x128xf32>
    %add3A = arith.addf %get3A_3, %get3A_8 : vector<2048x128xf32>
    %get3A_9 = arith.constant 0 : index
    %get3A_10 = arith.constant 0 : index
    %get3A_11 = vector.load %arg3[%get3A_9, %get3A_10] : memref<16x128xf32, #tpu.memory_space<vmem>>, vector<16x128xf32>
    %get3A_12 = arith.constant 0 : index
    %get3A_13 = arith.constant 0 : index
    %get3A_14 = vector.load %arg4[%get3A_12, %get3A_13] : memref<16x128xf32, #tpu.memory_space<vmem>>, vector<16x128xf32>
    %add3A_15 = arith.addf %get3A_11, %get3A_14 : vector<16x128xf32>
    %slice3A = vector.extract_strided_slice %add3A_15 {offsets = [0, 0], sizes = [1, 128], strides = [1, 1]} : vector<16x128xf32> to vector<1x128xf32>
    %squeeze3A = vector.shape_cast %slice3A : vector<1x128xf32> to vector<128xf32>
    %broadcast_in_dim3A = vector.shape_cast %squeeze3A : vector<128xf32> to vector<128x1xf32>
    %slice3A_16 = vector.extract_strided_slice %add3A_15 {offsets = [1, 0], sizes = [1, 128], strides = [1, 1]} : vector<16x128xf32> to vector<1x128xf32>
    %squeeze3A_17 = vector.shape_cast %slice3A_16 : vector<1x128xf32> to vector<128xf32>
    %broadcast_in_dim3A_18 = vector.shape_cast %squeeze3A_17 : vector<128xf32> to vector<128x1xf32>
    %slice3A_19 = vector.extract_strided_slice %add3A_15 {offsets = [2, 0], sizes = [1, 128], strides = [1, 1]} : vector<16x128xf32> to vector<1x128xf32>
    %squeeze3A_20 = vector.shape_cast %slice3A_19 : vector<1x128xf32> to vector<128xf32>
    %broadcast_in_dim3A_21 = vector.shape_cast %squeeze3A_20 : vector<128xf32> to vector<128x1xf32>
    %slice3A_22 = vector.extract_strided_slice %add3A_15 {offsets = [3, 0], sizes = [1, 128], strides = [1, 1]} : vector<16x128xf32> to vector<1x128xf32>
    %squeeze3A_23 = vector.shape_cast %slice3A_22 : vector<1x128xf32> to vector<128xf32>
    %broadcast_in_dim3A_24 = vector.shape_cast %squeeze3A_23 : vector<128xf32> to vector<128x1xf32>
    %slice3A_25 = vector.extract_strided_slice %add3A_15 {offsets = [4, 0], sizes = [1, 128], strides = [1, 1]} : vector<16x128xf32> to vector<1x128xf32>
    %squeeze3A_26 = vector.shape_cast %slice3A_25 : vector<1x128xf32> to vector<128xf32>
    %broadcast_in_dim3A_27 = vector.shape_cast %squeeze3A_26 : vector<128xf32> to vector<128x1xf32>
    %slice3A_28 = vector.extract_strided_slice %add3A_15 {offsets = [5, 0], sizes = [1, 128], strides = [1, 1]} : vector<16x128xf32> to vector<1x128xf32>
    %squeeze3A_29 = vector.shape_cast %slice3A_28 : vector<1x128xf32> to vector<128xf32>
    %broadcast_in_dim3A_30 = vector.shape_cast %squeeze3A_29 : vector<128xf32> to vector<128x1xf32>
    %slice3A_31 = vector.extract_strided_slice %add3A_15 {offsets = [6, 0], sizes = [1, 128], strides = [1, 1]} : vector<16x128xf32> to vector<1x128xf32>
    %squeeze3A_32 = vector.shape_cast %slice3A_31 : vector<1x128xf32> to vector<128xf32>
    %broadcast_in_dim3A_33 = vector.shape_cast %squeeze3A_32 : vector<128xf32> to vector<128x1xf32>
    %slice3A_34 = vector.extract_strided_slice %add3A_15 {offsets = [7, 0], sizes = [1, 128], strides = [1, 1]} : vector<16x128xf32> to vector<1x128xf32>
    %squeeze3A_35 = vector.shape_cast %slice3A_34 : vector<1x128xf32> to vector<128xf32>
    %broadcast_in_dim3A_36 = vector.shape_cast %squeeze3A_35 : vector<128xf32> to vector<128x1xf32>
    %slice3A_37 = vector.extract_strided_slice %add3A_15 {offsets = [8, 0], sizes = [1, 128], strides = [1, 1]} : vector<16x128xf32> to vector<1x128xf32>
    %squeeze3A_38 = vector.shape_cast %slice3A_37 : vector<1x128xf32> to vector<128xf32>
    %broadcast_in_dim3A_39 = vector.shape_cast %squeeze3A_38 : vector<128xf32> to vector<128x1xf32>
    %slice3A_40 = vector.extract_strided_slice %add3A_15 {offsets = [9, 0], sizes = [1, 128], strides = [1, 1]} : vector<16x128xf32> to vector<1x128xf32>
    %squeeze3A_41 = vector.shape_cast %slice3A_40 : vector<1x128xf32> to vector<128xf32>
    %broadcast_in_dim3A_42 = vector.shape_cast %squeeze3A_41 : vector<128xf32> to vector<128x1xf32>
    %slice3A_43 = vector.extract_strided_slice %add3A_15 {offsets = [10, 0], sizes = [1, 128], strides = [1, 1]} : vector<16x128xf32> to vector<1x128xf32>
    %squeeze3A_44 = vector.shape_cast %slice3A_43 : vector<1x128xf32> to vector<128xf32>
    %broadcast_in_dim3A_45 = vector.shape_cast %squeeze3A_44 : vector<128xf32> to vector<128x1xf32>
    %slice3A_46 = vector.extract_strided_slice %add3A_15 {offsets = [11, 0], sizes = [1, 128], strides = [1, 1]} : vector<16x128xf32> to vector<1x128xf32>
    %squeeze3A_47 = vector.shape_cast %slice3A_46 : vector<1x128xf32> to vector<128xf32>
    %broadcast_in_dim3A_48 = vector.shape_cast %squeeze3A_47 : vector<128xf32> to vector<128x1xf32>
    %slice3A_49 = vector.extract_strided_slice %add3A_15 {offsets = [12, 0], sizes = [1, 128], strides = [1, 1]} : vector<16x128xf32> to vector<1x128xf32>
    %squeeze3A_50 = vector.shape_cast %slice3A_49 : vector<1x128xf32> to vector<128xf32>
    %broadcast_in_dim3A_51 = vector.shape_cast %squeeze3A_50 : vector<128xf32> to vector<128x1xf32>
    %slice3A_52 = vector.extract_strided_slice %add3A_15 {offsets = [13, 0], sizes = [1, 128], strides = [1, 1]} : vector<16x128xf32> to vector<1x128xf32>
    %squeeze3A_53 = vector.shape_cast %slice3A_52 : vector<1x128xf32> to vector<128xf32>
    %broadcast_in_dim3A_54 = vector.shape_cast %squeeze3A_53 : vector<128xf32> to vector<128x1xf32>
    %slice3A_55 = vector.extract_strided_slice %add3A_15 {offsets = [14, 0], sizes = [1, 128], strides = [1, 1]} : vector<16x128xf32> to vector<1x128xf32>
    %squeeze3A_56 = vector.shape_cast %slice3A_55 : vector<1x128xf32> to vector<128xf32>
    %broadcast_in_dim3A_57 = vector.shape_cast %squeeze3A_56 : vector<128xf32> to vector<128x1xf32>
    %slice3A_58 = vector.extract_strided_slice %add3A_15 {offsets = [15, 0], sizes = [1, 128], strides = [1, 1]} : vector<16x128xf32> to vector<1x128xf32>
    %squeeze3A_59 = vector.shape_cast %slice3A_58 : vector<1x128xf32> to vector<128xf32>
    %broadcast_in_dim3A_60 = vector.shape_cast %squeeze3A_59 : vector<128xf32> to vector<128x1xf32>
    %concatenate3A = tpu.concatenate %broadcast_in_dim3A, %broadcast_in_dim3A_18, %broadcast_in_dim3A_21, %broadcast_in_dim3A_24, %broadcast_in_dim3A_27, %broadcast_in_dim3A_30, %broadcast_in_dim3A_33, %broadcast_in_dim3A_36, %broadcast_in_dim3A_39, %broadcast_in_dim3A_42, %broadcast_in_dim3A_45, %broadcast_in_dim3A_48, %broadcast_in_dim3A_51, %broadcast_in_dim3A_54, %broadcast_in_dim3A_57, %broadcast_in_dim3A_60 in 0 : vector<128x1xf32>, vector<128x1xf32>, vector<128x1xf32>, vector<128x1xf32>, vector<128x1xf32>, vector<128x1xf32>, vector<128x1xf32>, vector<128x1xf32>, vector<128x1xf32>, vector<128x1xf32>, vector<128x1xf32>, vector<128x1xf32>, vector<128x1xf32>, vector<128x1xf32>, vector<128x1xf32>, vector<128x1xf32> -> vector<2048x1xf32>
    %get3A_61 = arith.constant 0 : index
    %get3A_62 = arith.constant 0 : index
    %get3A_63 = vector.load %arg5[%get3A_61, %get3A_62] : memref<128x128xf32, #tpu.memory_space<vmem>>, vector<128x128xf32>
    %dot_general3A = arith.constant dense<0.000000e+00> : vector<2048x128xf32>
    %dot_general3A_64 = tpu.matmul %add3A, %get3A_63, %dot_general3A {dimension_numbers = #tpu.dot_dimension_numbers<[1], [1], [0], [0], [0, 0, 1, 0], [], []>, transpose_lhs_hint = false} : vector<2048x128xf32>, vector<128x128xf32>, vector<2048x128xf32> -> vector<2048x128xf32>
    %get3A_65 = arith.constant 0 : index
    %get3A_66 = vector.load %arg6[%get3A_65] : memref<128xf32, #tpu.memory_space<vmem>>, vector<128xf32>
    %broadcast_in_dim3A_67 = vector.shape_cast %get3A_66 : vector<128xf32> to vector<1x128xf32>
    %mul3A = vector.broadcast %concatenate3A : vector<2048x1xf32> to vector<2048x128xf32>
    %mul3A_68 = vector.broadcast %broadcast_in_dim3A_67 : vector<1x128xf32> to vector<2048x128xf32>
    %mul3A_69 = arith.mulf %mul3A, %mul3A_68 : vector<2048x128xf32>
    %add3A_70 = arith.addf %dot_general3A_64, %mul3A_69 : vector<2048x128xf32>
    %swap3A = arith.constant 0 : index
    %swap3A_71 = arith.constant 0 : index
    %swap3A_72 = vector.load %arg7[%swap3A, %swap3A_71] : memref<2048x128xf32, #tpu.memory_space<vmem>>, vector<2048x128xf32>
    tpu.vector_store %arg7[%swap3A, %swap3A_71], %add3A_70 {strides = array<i32>} : memref<2048x128xf32, #tpu.memory_space<vmem>>, vector<2048x128xf32>,
    return
  }
  func.func @transform_0(%arg0: i32) -> (i32, i32, i32) {
    %c0_i32 = arith.constant 0 : i32
    %c0_i32_0 = arith.constant 0 : i32
    %c0_i32_1 = arith.constant 0 : i32
    return %c0_i32, %arg0, %c0_i32_0 : i32, i32, i32
  }
  func.func @transform_1(%arg0: i32) -> (i32, i32, i32) {
    %c1_i32 = arith.constant 1 : i32
    %c0_i32 = arith.constant 0 : i32
    %c0_i32_0 = arith.constant 0 : i32
    return %c1_i32, %arg0, %c0_i32 : i32, i32, i32
  }
  func.func @transform_2(%arg0: i32) -> (i32, i32) {
    %c0_i32 = arith.constant 0 : i32
    %c0_i32_0 = arith.constant 0 : i32
    return %arg0, %c0_i32 : i32, i32
  }
  func.func @transform_3(%arg0: i32) -> (i32, i32) {
    %add3A = arith.constant 5 : i32
    %add3A_0 = arith.addi %arg0, %add3A : i32
    %c0_i32 = arith.constant 0 : i32
    %c0_i32_1 = arith.constant 0 : i32
    return %add3A_0, %c0_i32 : i32, i32
  }
  func.func @transform_4(%arg0: i32) -> (i32, i32) {
    %c0_i32 = arith.constant 0 : i32
    %c0_i32_0 = arith.constant 0 : i32
    %c0_i32_1 = arith.constant 0 : i32
    return %c0_i32, %c0_i32_0 : i32, i32
  }
  func.func @transform_5(%arg0: i32) -> i32 {
    %c0_i32 = arith.constant 0 : i32
    %c0_i32_0 = arith.constant 0 : i32
    return %c0_i32 : i32
  }
  func.func @transform_6(%arg0: i32) -> (i32, i32) {
    %c0_i32 = arith.constant 0 : i32
    %c0_i32_0 = arith.constant 0 : i32
    return %arg0, %c0_i32 : i32, i32
  }
}

</mosaic_0001>

<sc_bundles>
// kernel: kernel.5.cloned.1.call-start
scs
__scs_entry_jumppad:
0x0: {  	(pc) =	sbr.rel $0x88, $3  }
0x1: {  	(tag) =	ssettag $0x0;
	lr =	simm.s32 $0x1  }
0x2: {  	[smem:$0x3F9D] =	sst lr;
	_ =	strace $0xD0000000  }
0x3: {  	_ = 	snop  }
0x4: {  	_ = 	snop  }
0x5: {  	_ = 	snop  }
0x6: {  	_ = 	snop  }
0x7: {  	_ = 	snop  }
__scs_overlays_trampoline_lowered:
0x8: {  	[smem:$0x3FAC] =	sst s0  }
0x9: {  	[smem:$0x3FAD] =	sst s1  }
0xa: {  	[smem:$0x3FAE] =	sst s2  }
0xb: {  	[smem:$0x3FAF] =	sst s3  }
0xc: {  	[smem:$0x3FB0] =	sst s4  }
0xd: {  	[smem:$0x3FB1] =	sst s5  }
0xe: {  	[smem:$0x3FB2] =	sst s6  }
0xf: {  	[smem:$0x3FB3] =	sst s7  }
0x10: {  	[smem:$0x3FB4] =	sst s8  }
0x11: {  	[smem:$0x3FB5] =	sst s9;
	s0 =	simm.s32 @!p0 $0x0  }
0x12: {  	s1 =	sld [smem:$0x3F9B];
	s0 =	simm.s32 @p0 $0x1  }
0x13: {  	[smem:$0x3FB6] =	sst s0;
	s0 =	simm.s32 @!p1 $0x0  }
0x14: {  	s2 =	sld [smem:$0x3F9A];
	s0 =	simm.s32 @p1 $0x1  }
0x15: {  	[smem:$0x3FB7] =	sst s0;
	s0 =	simm.s32 @!p2 $0x0  }
0x16: {  	s3 =	sld [smem:$0x3FDB];
	s0 =	simm.s32 @p2 $0x1  }
0x17: {  	s4 =	simm.s32 $0x1BF5;
	[smem:$0x3FB9] =	sst s0  }
0x18: {  	s0 =	sld [smem:$0x3F9C];
	_ =	swait.ge [sflag:s4], $0x0  }
0x19: {  	s7 =	sld [smem:$0x3F9D]  }
0x1a: {  	s8 =	sadd.s32 $0xFFFFE003, lr  }
0x1b: {  	s9 =	sadd.s32 $0xFFFFFEF7, lr;
	s5 =	simm.s32 $0xFFFFFFFF;
	p2 =	slt.u32 s8, $0xFFFFF086  }
0x1c: {  	p1 =	slt.u32 s9, $0xF7A;
	s5 =	simm.s32 @!p2 $0x0  }
0x1d: {  	s5 =	simm.s32 @p1 $0x1;
	p0 =	seq.s32 s7, s2  }
0x1e: {  	s7 =	smul.u32 @!p0 $0xF7A, s2;
	p2 =	seq.s32 @!p0 s5, $0x0  }
0x1f: {  	s9 =	smul.u32 $0xF7A, s1;
	s8 =	simm.s32 @!p0 $0x1BF5;
	p2 =	por !p2, p0  }
0x20: {  	[sflag:s8] =	ssyncset.s32 @!p0 $0xFFFFF086;
	s6 =	sadd.s32 @!p0 s3, s7;
	s7 =	simm.s32 @!p0 $0x108  }
0x21: {  	s3 =	sadd.s32 s3, s9;
	s6 =	sadd.s32 @!p0 $0x88, s6;
	s7 =	simm.s32 @p2 $0x1082  }
0x22: {  	[simem:s7], [sflag:s8] =	dma.local @!p0 [hbm:s6], $0xF7A  }
0x23: {  	s9 =	sor.u32 $0xD0000000, s2;
	s6 =	simm.s32 $0x108;
	_ =	swait.ge @!p0 [sflag:s8], $0x0  }
0x24: {  	s3 =	sadd.s32 $0x88, s3;
	s6 =	simm.s32 @!p1 $0x1082;
	[sflag:s4] =	ssyncset.s32 $0xFFFFF086  }
0x25: {  	[simem:s6], [sflag:s4] =	dma.local [hbm:s3], $0xF7A  }
0x26: {  	[smem:$0x3F9D] =	sst s1;
	(tag) =	ssettag s2;
	_ =	strace s9  }
0x27: {  	s1 =	sld [smem:$0x3FAD]  }
0x28: {  	s2 =	sld [smem:$0x3FAE]  }
0x29: {  	s4 =	sld [smem:$0x3FB0]  }
0x2a: {  	p0 =	seq.s32 s5, $0x0;
	s5 =	sld [smem:$0x3FB1]  }
0x2b: {  	s6 =	sld [smem:$0x3FB2]  }
0x2c: {  	s7 =	sld [smem:$0x3FB3]  }
0x2d: {  	s3 =	simm.s32 $0x108;
	s8 =	sld [smem:$0x3FB4]  }
0x2e: {  	s3 =	simm.s32 @!p0 $0x1082;
	s9 =	sld [smem:$0x3FB5]  }
0x2f: {  	lr =	sadd.s32 s0, s3;
	s0 =	sld [smem:$0x3FAC]  }
0x30: {  	s3 =	sld [smem:$0x3FAF]  }
0x31: {  	[smem:$0x3FB8] =	sst s10  }
0x32: {  	s10 =	sld [smem:$0x3FB6];
	_ =	sdelay $0x3  }
0x33: {  	p0 =	seq.s32 s10, $0x1;
	s10 =	sld [smem:$0x3FB8];
	_ =	sdelay $0x3  }
0x34: {  	[smem:$0x3FB8] =	sst s10  }
0x35: {  	s10 =	sld [smem:$0x3FB7];
	_ =	sdelay $0x3  }
0x36: {  	p1 =	seq.s32 s10, $0x1;
	s10 =	sld [smem:$0x3FB8];
	_ =	sdelay $0x3  }
0x37: {  	[smem:$0x3FB8] =	sst s10  }
0x38: {  	s10 =	sld [smem:$0x3FB9]  }
0x39: {  	_ = 	snop;
	(pc) =	sbr.ind lr, $3  }
0x3a: {  	_ = 	snop  }
0x3b: {  	_ = 	snop  }
0x3c: {  	p2 =	seq.s32 s10, $0x1;
	s10 =	sld [smem:$0x3FB8]  }
0x3d: {  	_ =	shalt  }
0x3e: {  	_ =	shalt  }
0x3f: {  	_ =	shalt  }
0x40: {  	_ =	shalt  }
0x41: {  	_ =	shalt  }
0x42: {  	_ =	shalt  }
0x43: {  	_ =	shalt  }
0x44: {  	_ =	shalt  }
0x45: {  	_ =	shalt  }
0x46: {  	_ =	shalt  }
0x47: {  	_ =	shalt  }
0x48: {  	_ =	shalt  }
0x49: {  	_ =	shalt  }
0x4a: {  	_ =	shalt  }
0x4b: {  	_ =	shalt  }
0x4c: {  	_ =	shalt  }
0x4d: {  	_ =	shalt  }
0x4e: {  	_ =	shalt  }
0x4f: {  	_ =	shalt  }
0x50: {  	_ =	shalt  }
0x51: {  	_ =	shalt  }
0x52: {  	_ =	shalt  }
0x53: {  	_ =	shalt  }
0x54: {  	_ =	shalt  }
0x55: {  	_ =	shalt  }
0x56: {  	_ =	shalt  }
0x57: {  	_ =	shalt  }
0x58: {  	_ =	shalt  }
0x59: {  	_ =	shalt  }
0x5a: {  	_ =	shalt  }
0x5b: {  	_ =	shalt  }
0x5c: {  	_ =	shalt  }
0x5d: {  	_ =	shalt  }
0x5e: {  	_ =	shalt  }
0x5f: {  	_ =	shalt  }
0x60: {  	_ =	shalt  }
0x61: {  	_ =	shalt  }
0x62: {  	_ =	shalt  }
0x63: {  	_ =	shalt  }
0x64: {  	_ =	shalt  }
0x65: {  	_ =	shalt  }
0x66: {  	_ =	shalt  }
0x67: {  	_ =	shalt  }
0x68: {  	_ =	shalt  }
0x69: {  	_ =	shalt  }
0x6a: {  	_ =	shalt  }
0x6b: {  	_ =	shalt  }
0x6c: {  	_ =	shalt  }
0x6d: {  	_ =	shalt  }
0x6e: {  	_ =	shalt  }
0x6f: {  	_ =	shalt  }
0x70: {  	_ =	shalt  }
0x71: {  	_ =	shalt  }
0x72: {  	_ =	shalt  }
0x73: {  	_ =	shalt  }
0x74: {  	_ =	shalt  }
0x75: {  	_ =	shalt  }
0x76: {  	_ =	shalt  }
0x77: {  	_ =	shalt  }
0x78: {  	_ =	shalt  }
0x79: {  	_ =	shalt  }
0x7a: {  	_ =	shalt  }
0x7b: {  	_ =	shalt  }
0x7c: {  	_ =	shalt  }
0x7d: {  	_ =	shalt  }
0x7e: {  	_ =	shalt  }
0x7f: {  	_ =	shalt  }
0x80: {  	_ =	shalt  }
0x81: {  	_ =	shalt  }
0x82: {  	_ =	shalt  }
0x83: {  	_ =	shalt  }
0x84: {  	_ =	shalt  }
0x85: {  	_ =	shalt  }
0x86: {  	_ =	shalt  }
0x87: {  	_ =	shalt  }
.Lfunc_end0:
.L_simem_size_0:
called_computation_lowered:
.L_overlay_start_0:
0x88: {  	s2 =	sld [smem:$0x3FD9]  }
0x89: {  	s3 =	sld [smem:$0x3FFE];
	_ =	sdelay $0x1  }
0x8a: {  	s1 =	srdreg.scid  }
0x8b: {  	s0 =	sand.u32 $0x1, s1  }
0x8c: {  	s17 =	sshll.u32 s0, $0xA;
	s2 =	sadd.s32 s3, s2  }
0x8d: {  	s2 =	sadd.s32 s2, s17  }
0x8e: {  	[smem:$0x3FC4] =	sst s2  }
0x8f: {  	_ = 	snop  }
0x90: {  	s2 =	sld [smem:$0x3FC9]  }
0x91: {  	s18 =	sld [smem:$0x3FD0];
	(tm) =	ssettm $0x1  }
0x92: {  	s4 =	sld [smem:$0x3FFB];
	_ =	sdelay $0x3  }
0x93: {  	_ =	strace s4  }
0x94: {  	s4 =	sld [smem:$0x3FFC];
	_ =	sdelay $0x3  }
0x95: {  	_ =	strace s4  }
0x96: {  	s4 =	sld [smem:$0x3FFD];
	_ =	sdelay $0x3  }
0x97: {  	_ =	strace s4  }
0x98: {  	_ =	strace $0x8FFFFFFF  }
0x99: {  	s19 =	sld [smem:$0x3FDB];
	_ =	sdelay $0x1  }
0x9a: {  	s5 =	simm.s32 $_scs_section_size  }
0x9b: {  	s6 =	simm.s32 $_size__tile_overlayer_lowered;
	s7 =	simm.s32 $_tile_overlayer_lowered  }
0x9c: {  	s22 =	simm.s32 $0x1BFF;
	s21 =	sshll.u32 s7, $0x1;
	s4 =	sadd.s32 s5, s19  }
0x9d: {  	s8 =	simm.s32 $0x0;
	s20 =	sshll.u32 s6, $0x1;
	s6 =	sadd.s32 s21, s4  }
0x9e: {  	[timem:s8], [sflag:s22] =	dma.local [hbm:s6], s20  }
0x9f: {  	_ =	swait.ge [sflag:s22], s20  }
0xa0: {  	s5 =	ssub.s32 $0x0, s20;
	[sflag:s22] =	ssyncset.done $0x0  }
0xa1: {  	[sflag:s22] =	ssyncadd.s32 s5;
	_ =	sdelay $0x1  }
0xa2: {  	s23 =	simm.s32 $0x1B8B  }
0xa3: {  	_ =	swait.ge [sflag:s23], $0x1  }
0xa4: {  	[sflag:s23] =	ssyncset.done $0x0  }
0xa5: {  	s25 =	simm.s32 $0x1B8E;
	s24 =	sld [smem:$0x3FFE];
	[sflag:s23] =	ssyncadd.s32 $0xFFFFFFFF  }
0xa6: {  	s26 =	simm.s32 $execute0_lowered;
	[smem:$0x3FD2] =	sst s25  }
0xa7: {  	s6 =	sshll.u32 s26, $0x1;
	_ =	strace $0x80000046;
	[dreg:$0x1] =	wrdreg $0xFFFFFFFF  }
0xa8: {  	s28 =	simm.s32 $_size_execute0_lowered;
	s4 =	sadd.s32 s4, s6;
	[dreg:$0x0] =	wrdreg $0x0  }
0xa9: {  	s6 =	sshll.u32 s28, $0x1;
	[dreg:$0x2] =	wrdreg s4  }
0xaa: {  	[dreg:$0x3] =	wrdreg s6  }
0xab: {  	[dreg:$0x4] =	wrdreg $0xC0  }
0xac: {  	_ =	task [dreg:s8], $0x5FFFF  }
0xad: {  	[dreg:$0x1] =	wrdreg $0xFFFFFFFF  }
0xae: {  	[dreg:$0x0] =	wrdreg $0x60  }
0xaf: {  	[dreg:$0x2] =	wrdreg s2  }
0xb0: {  	[dreg:$0x3] =	wrdreg s18  }
0xb1: {  	[dreg:$0x4] =	wrdreg s24  }
0xb2: {  	[dreg:$0x5] =	wrdreg $0xA8800  }
0xb3: {  	[dreg:$0x6] =	wrdreg $0x1E8800  }
0xb4: {  	[dreg:$0x7] =	wrdreg $0x9  }
0xb5: {  	_ =	task.clear_ibuf [dreg:s8], $0x8FFFF;
	_ =	strace $0x90000046  }
0xb6: {  	s29 =	simm.s32 $0x9;
	_ =	strace $0x80000048  }
0xb7: {  	_ =	swait.ge [sflag:s29], $0x1  }
0xb8: {  	[sflag:s29] =	ssyncadd.s32 $0xFFFFFFFF  }
0xb9: {  	_ =	strace $0x90000048  }
0xba: {  	_ =	sfence  }
0xbb: {  	s30 =	sld [smem:$0x0];
	_ =	sdelay $0x2  }
0xbc: {  	s31 =	sshll.u32 s1, $0xD;
	s1 =	sshrl.u32 s1, $0x2  }
0xbd: {  	s3 =	sand.u32 $0x4000, s31;
	s1 =	sadd.s32 s1, s30  }
0xbe: {  	s0 =	sor.u32 s3, s0;
	s1 =	sshll.u32 s1, $0x11  }
0xbf: {  	s0 =	sor.u32 s1, s0  }
0xc0: {  	s0 =	sadd.s32 $0x8F2B, s0  }
0xc1: {  	[sflag:s0] =	ssyncadd.remote.s32 $0x1  }
0xc2: {  	_ =	sfence.sel $0xFFFF  }
0xc3: {  	[dreg:$0x0] =	wrdreg $0xFFFFFFFF;
	(pc) =	sbr.abs _section_cstart, $3  }
0xc4: {  	[dreg:$0x1] =	wrdreg $0xFFFFFFFF  }
0xc5: {  	_ =	task.clear_ibuf [dreg:s8], $0x2FFFF;
	_ =	strace $0x9FFFFFFF  }
0xc6: {  	(tm) =	ssettm $0x7FFFFFFF  }
0xc7: {  	_ =	shalt  }
tec
execute0_lowered:
.L_overlay_start_1:
0x0: {  	(tag) =	ssettag $0x1  }
0x1: {  	s0 =	rddreg [dreg:$0x0]  }
0x2: {  	s1 =	rddreg [dreg:$0x1]  }
0x3: {  	s6 =	rddreg [dreg:$0x2]  }
0x4: {  	s2 =	srdreg.scid;
	s3 =	rddreg [dreg:$0x3]  }
0x5: {  	s16 =	stileid.u32;
	s4 =	rddreg [dreg:$0x4];
	s5 =	simm.s32 $0x0  }
0x6: {  	s28 =	simm.s32 $0x2800;
	s29 =	simm.s32 $0x4;
	s8 =	smul.u32 $0x14000, s16  }
0x7: {  	s31 =	simm.s32 $0x1400;
	s30 =	simm.s32 $0x6800;
	s20 =	smul.u32 $0x50000, s16  }
0x8: {  	s2 =	sand.u32 $0x1, s2;
	[smem:$0x7FF] =	sst s5;
	s12 =	smul.u32 $0x280, s16  }
0x9: {  	s10 =	sadd.s32 $0x51400, s6;
	s7 =	smul.u32 $0x140000, s2;
	_ =	strace $0x80000047  }
0xa: {  	s19 =	ssub.s32 $0x2, s2;
	s11 =	sshll.u32 s2, $0x4;
	s2 =	smul.u32 $0x50, s2  }
0xb: {  	s9 =	sshrl.u32 s19, $0x1;
	s15 =	sor.u32 s16, s11;
	s21 =	sshrl.u32 s20, $0x2  }
0xc: {  	s22 =	sadd.s32 $0x80, s12;
	s13 =	sadd.s32 $0x100, s12;
	s16 =	smul.u32 $0x5, s16  }
0xd: {  	s17 =	sadd.s32 $0x180, s12;
	s26 =	sadd.s32 $0x200, s12;
	s7 =	sadd.s32 s8, s7  }
0xe: {  	s14 =	ssub.s32 s19, s9;
	s23 =	sshll.u32 s22, $0x7;
	s24 =	sshll.u32 s13, $0x7  }
0xf: {  	s9 =	sadd.s32 s22, s4;
	s25 =	sshll.u32 s17, $0x7;
	s18 =	sshll.u32 s26, $0x7  }
0x10: {  	s7 =	sshrl.u32 s7, $0x3;
	s11 =	sadd.s32 s23, s3;
	s2 =	sadd.s32 s16, s2  }
0x11: {  	s20 =	sadd.s32 s18, s3;
	s16 =	simm.s32 $0x2780;
	s8 =	sadd.s32 s7, s6  }
0x12: {  	s6 =	sadd.s32 s21, s3;
	s7 =	sadd.s32 s12, s4;
	[dreg:$0x6] =	wrdreg s11  }
0x13: {  	s11 =	sadd.s32 s24, s3;
	s19 =	sshll.u32 s2, $0x7;
	s12 =	sand.u32 $0x380, s12  }
0x14: {  	[dreg:$0x9] =	wrdreg s20;
	s21 =	smul.u32 $0x2800, s15;
	s2 =	sshll.u32 s2, $0x4  }
0x15: {  	s15 =	sadd.s32 s26, s4;
	s26 =	smax.u32 s14, $0x1;
	s14 =	simm.s32 $0x2700  }
0x16: {  	[dreg:$0x7] =	wrdreg s11;
	s11 =	sadd.s32 s13, s4;
	s13 =	sadd.s32 s25, s3  }
0x17: {  	s19 =	sand.u32 $0x7C00, s19;
	s2 =	sadd.s32 s2, s10;
	[dreg:$0x10] =	wrdreg s26  }
0x18: {  	s25 =	sadd.s32 $0x1400, s8;
	s8 =	simm.s32 $0x1;
	[dreg:$0x8] =	wrdreg s13  }
0x19: {  	s13 =	sadd.s32 s17, s4;
	s12 =	sor.u32 s12, s19;
	s22 =	sadd.s32 $0x20, s2  }
0x1a: {  	s23 =	sshrl.u32 s21, $0x3;
	s24 =	sadd.s32 $0x30, s2;
	[dreg:$0xf] =	wrdreg s25  }
0x1b: {  	s17 =	simm.s32 $0x3;
	s12 =	sshrl.u32 s12, $0x3;
	[dreg:$0xc] =	wrdreg s22  }
0x1c: {  	[dreg:$0xd] =	wrdreg s24;
	s21 =	sadd.s32 s1, s23;
	s12 =	sadd.s32 s10, s12  }
0x1d: {  	s1 =	simm.s32 $0xA800;
	s10 =	sadd.s32 $0x10, s2;
	[dreg:$0xa] =	wrdreg s12  }
0x1e: {  	s2 =	sadd.s32 $0x40, s2;
	s24 =	sadd.s32 $0xA000, s21;
	[dreg:$0xb] =	wrdreg s10  }
0x1f: {  	s25 =	sadd.s32 $0x280, s21;
	s26 =	sadd.s32 $0xA280, s21;
	[dreg:$0xe] =	wrdreg s2  }
0x20: {  	v0 =	vimm.f32 $0.0e+00;
	v1 =	vimm.f32 $1.000000000e+00;
	s2 =	simm.s32 $0x80;
	s10 =	simm.s32 $0x2;
	s12 =	simm.s32 $0x1380  }
.LBB2_1:
0x21: {  	s18 =	simm.s32 $0x0;
	s19 =	simm.s32 $0x200  }
.LBB2_2:
0x22: {  	p0 =	sne.s32 s19, $0xFE00;
	[tilespmem:s18+$0x2870] =	vst v0  }
0x23: {  	[tilespmem:s18+$0x2800] =	vst v0  }
0x24: {  	[tilespmem:s18+$0x2810] =	vst v0  }
.Ltmp0:
0x25: {  	[tilespmem:s18+$0x2820] =	vst v0;
	(pc) =	sbr.rel @p0 .LBB2_2-.Ltmp0, $4  }
0x26: {  	[tilespmem:s18+$0x2830] =	vst v0  }
0x27: {  	[tilespmem:s18+$0x2840] =	vst v0  }
0x28: {  	[tilespmem:s18+$0x2850] =	vst v0  }
0x29: {  	[tilespmem:s18+$0x2860] =	vst v0;
	s18 =	sshra.s32 s19, $0x2;
	s19 =	sadd.s32 $0x200, s19  }
0x2a: {  	[tilespmem:s18+$0x2870] =	vst v0  }
0x2b: {  	[tilespmem:s18+$0x2800] =	vst v0  }
0x2c: {  	[tilespmem:s18+$0x2810] =	vst v0  }
0x2d: {  	[tilespmem:s18+$0x2820] =	vst v0  }
0x2e: {  	[tilespmem:s18+$0x2830] =	vst v0  }
0x2f: {  	[tilespmem:s18+$0x2840] =	vst v0  }
0x30: {  	[tilespmem:s18+$0x2850] =	vst v0  }
0x31: {  	[tilespmem:s18+$0x2860] =	vst v0  }
0x32: {  	[tilespmem:$0xA800] =	vst v1  }
0x33: {  	[tilespmem:$0xA810] =	vst v1  }
0x34: {  	[tilespmem:$0xA820] =	vst v1  }
0x35: {  	[tilespmem:$0xA830] =	vst v1  }
0x36: {  	[tilespmem:$0xA840] =	vst v1  }
0x37: {  	[tilespmem:$0xA850] =	vst v1  }
0x38: {  	[tilespmem:$0xA860] =	vst v1  }
0x39: {  	[tilespmem:$0xA870] =	vst v1  }
0x3a: {  	[spmem:s6] =	stream.linear.scatter [tilespmem:s28], [sflag:$0x4], $0x4000, $0x38;
	[tilespmem:$0x1EB00] =	vst v63  }
0x3b: {  	_ =	swait.ge [sflag:s29], $0x4000  }
0x3c: {  	[sflag:s29] =	ssyncset.done $0x0  }
0x3d: {  	[sflag:s29] =	ssyncadd.s32 $0xFFFFC000  }
0x3e: {  	[spmem:s7] =	stream.linear.scatter [tilespmem:s28], [sflag:$0x4], $0x80, $0x38;
	[tilespmem:$0x1EB00] =	vst v63  }
0x3f: {  	_ =	swait.ge [sflag:s29], $0x80  }
0x40: {  	[sflag:s29] =	ssyncset.done $0x0  }
0x41: {  	s23 =	rddreg [dreg:$0x6];
	[sflag:s29] =	ssyncadd.s32 $0xFFFFFF80  }
0x42: {  	[spmem:s23] =	stream.linear.scatter [tilespmem:s28], [sflag:$0x4], $0x4000, $0x38;
	[tilespmem:$0x1EB00] =	vst v63  }
0x43: {  	_ =	swait.ge [sflag:s29], $0x4000  }
0x44: {  	[sflag:s29] =	ssyncset.done $0x0  }
0x45: {  	s19 =	simm.s32 $0x2880;
	[sflag:s29] =	ssyncadd.s32 $0xFFFFC000  }
0x46: {  	[spmem:s9] =	stream.linear.scatter [tilespmem:s19], [sflag:$0x4], $0x80, $0x38;
	[tilespmem:$0x1EB00] =	vst v63  }
0x47: {  	_ =	swait.ge [sflag:s29], $0x80  }
0x48: {  	[sflag:s29] =	ssyncset.done $0x0  }
0x49: {  	s20 =	rddreg [dreg:$0x7];
	[sflag:s29] =	ssyncadd.s32 $0xFFFFFF80  }
0x4a: {  	[spmem:s20] =	stream.linear.scatter [tilespmem:s28], [sflag:$0x4], $0x4000, $0x38;
	[tilespmem:$0x1EB00] =	vst v63  }
0x4b: {  	_ =	swait.ge [sflag:s29], $0x4000  }
0x4c: {  	[sflag:s29] =	ssyncset.done $0x0  }
0x4d: {  	s22 =	simm.s32 $0x2900;
	[sflag:s29] =	ssyncadd.s32 $0xFFFFC000  }
0x4e: {  	[spmem:s11] =	stream.linear.scatter [tilespmem:s22], [sflag:$0x4], $0x80, $0x38;
	[tilespmem:$0x1EB00] =	vst v63  }
0x4f: {  	_ =	swait.ge [sflag:s29], $0x80  }
0x50: {  	[sflag:s29] =	ssyncset.done $0x0  }
0x51: {  	s23 =	rddreg [dreg:$0x8];
	[sflag:s29] =	ssyncadd.s32 $0xFFFFFF80  }
0x52: {  	[spmem:s23] =	stream.linear.scatter [tilespmem:s28], [sflag:$0x4], $0x4000, $0x38;
	[tilespmem:$0x1EB00] =	vst v63  }
0x53: {  	_ =	swait.ge [sflag:s29], $0x4000  }
0x54: {  	[sflag:s29] =	ssyncset.done $0x0  }
0x55: {  	s19 =	simm.s32 $0x2980;
	[sflag:s29] =	ssyncadd.s32 $0xFFFFC000  }
0x56: {  	[spmem:s13] =	stream.linear.scatter [tilespmem:s19], [sflag:$0x4], $0x80, $0x38;
	[tilespmem:$0x1EB00] =	vst v63  }
0x57: {  	_ =	swait.ge [sflag:s29], $0x80  }
0x58: {  	[sflag:s29] =	ssyncset.done $0x0  }
0x59: {  	s20 =	rddreg [dreg:$0x9];
	[sflag:s29] =	ssyncadd.s32 $0xFFFFFF80  }
0x5a: {  	[spmem:s20] =	stream.linear.scatter [tilespmem:s28], [sflag:$0x4], $0x4000, $0x38;
	[tilespmem:$0x1EB00] =	vst v63  }
0x5b: {  	_ =	swait.ge [sflag:s29], $0x4000  }
0x5c: {  	[sflag:s29] =	ssyncset.done $0x0  }
0x5d: {  	s22 =	simm.s32 $0x2A00;
	[sflag:s29] =	ssyncadd.s32 $0xFFFFC000  }
0x5e: {  	[spmem:s15] =	stream.linear.scatter [tilespmem:s22], [sflag:$0x4], $0x80, $0x38;
	[tilespmem:$0x1EB00] =	vst v63  }
0x5f: {  	_ =	swait.ge [sflag:s29], $0x80  }
0x60: {  	[sflag:s29] =	ssyncset.done $0x0  }
0x61: {  	[sflag:s29] =	ssyncadd.s32 $0xFFFFFF80  }
0x62: {  	s23 =	simm.s32 $0x0;
	[bflag:$0x0] =	sbarrier.arrive $0xFFFF  }
0x63: {  	[tilespmem:s23], [sflag:$0x4] =	stream.linear.gather [hbm4b:s21+s23], $0x1400, $0x38;
	[tilespmem:$0x1EB00] =	vst v63  }
0x64: {  	_ =	swait.ge [sflag:s29], $0x1400  }
0x65: {  	[sflag:s29] =	ssyncset.done $0x0  }
0x66: {  	[sflag:s29] =	ssyncadd.s32 $0xFFFFEC00  }
0x67: {  	[tilespmem:s31], [sflag:$0x4] =	stream.linear.gather [hbm4b:s24+s23], $0x1400, $0x38;
	[tilespmem:$0x1EB00] =	vst v63  }
0x68: {  	_ =	swait.ge [sflag:s29], $0x1400  }
0x69: {  	[sflag:s29] =	ssyncset.done $0x0  }
0x6a: {  	[sflag:s29] =	ssyncadd.s32 $0xFFFFEC00  }
0x6b: {  	[tilespmem:s28], [sflag:$0x1] =	stream.indirect.gather [hbm4b:s0+s2], $0x80, s23, s2, $0xb8;
	[tilespmem:$0x1EB00] =	vst v63  }
0x6c: {  	s19 =	simm.s32 $0x80  }
0x6d: {  	[tilespmem:s30], [sflag:$0x2] =	stream.indirect.gather [hbm4b:s0+s2], $0x80, s19, s2, $0xb8;
	[tilespmem:$0x1EB00] =	vst v63  }
0x6e: {  	s20 =	simm.s32 $0x1400  }
0x6f: {  	[spmem:s4] =	stream.indirect.scatter.add.f32 [tilespmem:s1], [sflag:$0x3], $0x1, s20, s2, $0xb8;
	[tilespmem:$0x1EB00] =	vst v63  }
0x70: {  	_ =	swait.ge [sflag:s8], $0x4000  }
0x71: {  	[sflag:s8] =	ssyncset.done $0x0  }
0x72: {  	[sflag:s8] =	ssyncadd.s32 $0xFFFFC000  }
0x73: {  	[spmem:s3] =	stream.indirect.scatter.add.f32 [tilespmem:s28], [sflag:$0x4], $0x80, s20, s2, $0xb8;
	[tilespmem:$0x1EB00] =	vst v63  }
0x74: {  	_ =	swait.ge [sflag:s29], $0x4000  }
0x75: {  	[sflag:s29] =	ssyncset.done $0x0  }
0x76: {  	s22 =	simm.s32 $0x100;
	[sflag:s29] =	ssyncadd.s32 $0xFFFFC000  }
0x77: {  	[tilespmem:s28], [sflag:$0x1] =	stream.indirect.gather [hbm4b:s0+s2], $0x80, s22, s2, $0xb8;
	[tilespmem:$0x1EB00] =	vst v63  }
0x78: {  	s23 =	simm.s32 $0x1480  }
0x79: {  	[spmem:s4] =	stream.indirect.scatter.add.f32 [tilespmem:s1], [sflag:$0x3], $0x1, s23, s2, $0xb8;
	[tilespmem:$0x1EB00] =	vst v63  }
0x7a: {  	_ =	swait.ge [sflag:s10], $0x4000  }
0x7b: {  	[sflag:s10] =	ssyncset.done $0x0  }
0x7c: {  	[sflag:s10] =	ssyncadd.s32 $0xFFFFC000  }
0x7d: {  	[spmem:s3] =	stream.indirect.scatter.add.f32 [tilespmem:s30], [sflag:$0x4], $0x80, s23, s2, $0xb8;
	[tilespmem:$0x1EB00] =	vst v63  }
0x7e: {  	_ =	swait.ge [sflag:s29], $0x4000  }
0x7f: {  	s18 =	simm.s32 $0x100;
	s19 =	simm.s32 $0x800;
	[sflag:s29] =	ssyncset.done $0x0  }
.LBB2_4:
0x80: {  	s20 =	sadd.s32 $0x80, s18  }
0x81: {  	[sflag:s29] =	ssyncadd.s32 $0xFFFFC000;
	s22 =	smov.u32 s19;
	s23 =	sadd.s32 $0x400, s19  }
0x82: {  	[tilespmem:s30], [sflag:$0x2] =	stream.indirect.gather [hbm4b:s0+s2], $0x80, s20, s2, $0xb8;
	[tilespmem:$0x1EB00] =	vst v63  }
0x83: {  	p0 =	sne.s32 s19, $0x4800;
	s19 =	sadd.s32 $0x1400, s18  }
0x84: {  	[spmem:s4] =	stream.indirect.scatter.add.f32 [tilespmem:s1], [sflag:$0x3], $0x1, s19, s2, $0xb8;
	[tilespmem:$0x1EB00] =	vst v63  }
0x85: {  	_ =	swait.ge [sflag:s8], $0x4000  }
0x86: {  	[sflag:s8] =	ssyncset.done $0x0  }
0x87: {  	[sflag:s8] =	ssyncadd.s32 $0xFFFFC000  }
0x88: {  	[spmem:s3] =	stream.indirect.scatter.add.f32 [tilespmem:s28], [sflag:$0x4], $0x80, s19, s2, $0xb8;
	[tilespmem:$0x1EB00] =	vst v63  }
0x89: {  	_ =	swait.ge [sflag:s29], $0x4000  }
0x8a: {  	[sflag:s29] =	ssyncset.done $0x0  }
0x8b: {  	s19 =	sadd.s32 $0x100, s18;
	[sflag:s29] =	ssyncadd.s32 $0xFFFFC000  }
0x8c: {  	[tilespmem:s28], [sflag:$0x1] =	stream.indirect.gather [hbm4b:s0+s2], $0x80, s19, s2, $0xb8;
	[tilespmem:$0x1EB00] =	vst v63  }
0x8d: {  	s18 =	sadd.s32 $0x1480, s18  }
0x8e: {  	[spmem:s4] =	stream.indirect.scatter.add.f32 [tilespmem:s1], [sflag:$0x3], $0x1, s18, s2, $0xb8;
	[tilespmem:$0x1EB00] =	vst v63  }
0x8f: {  	_ =	swait.ge [sflag:s10], $0x4000  }
.Ltmp1:
0x90: {  	[sflag:s10] =	ssyncset.done $0x0;
	(pc) =	sbr.rel @p0 .LBB2_4-.Ltmp1, $4  }
0x91: {  	[sflag:s10] =	ssyncadd.s32 $0xFFFFC000  }
0x92: {  	[spmem:s3] =	stream.indirect.scatter.add.f32 [tilespmem:s30], [sflag:$0x4], $0x80, s18, s2, $0xb8;
	[tilespmem:$0x1EB00] =	vst v63  }
0x93: {  	_ =	swait.ge [sflag:s29], $0x4000  }
0x94: {  	s19 =	smov.u32 s23;
	s18 =	sshra.s32 s22, $0x2;
	[sflag:s29] =	ssyncset.done $0x0  }
0x95: {  	s19 =	sadd.s32 $0x80, s18;
	[sflag:s29] =	ssyncadd.s32 $0xFFFFC000  }
0x96: {  	[tilespmem:s30], [sflag:$0x2] =	stream.indirect.gather [hbm4b:s0+s2], $0x80, s19, s2, $0xb8;
	[tilespmem:$0x1EB00] =	vst v63  }
0x97: {  	s20 =	sadd.s32 $0x1400, s18  }
0x98: {  	[spmem:s4] =	stream.indirect.scatter.add.f32 [tilespmem:s1], [sflag:$0x3], $0x1, s20, s2, $0xb8;
	[tilespmem:$0x1EB00] =	vst v63  }
0x99: {  	_ =	swait.ge [sflag:s8], $0x4000  }
0x9a: {  	[sflag:s8] =	ssyncset.done $0x0  }
0x9b: {  	[sflag:s8] =	ssyncadd.s32 $0xFFFFC000  }
0x9c: {  	[spmem:s3] =	stream.indirect.scatter.add.f32 [tilespmem:s28], [sflag:$0x4], $0x80, s20, s2, $0xb8;
	[tilespmem:$0x1EB00] =	vst v63  }
0x9d: {  	_ =	swait.ge [sflag:s29], $0x4000  }
0x9e: {  	[sflag:s29] =	ssyncset.done $0x0  }
0x9f: {  	s22 =	sadd.s32 $0x100, s18;
	[sflag:s29] =	ssyncadd.s32 $0xFFFFC000  }
0xa0: {  	[tilespmem:s28], [sflag:$0x1] =	stream.indirect.gather [hbm4b:s0+s2], $0x80, s22, s2, $0xb8;
	[tilespmem:$0x1EB00] =	vst v63  }
0xa1: {  	s23 =	sadd.s32 $0x1480, s18  }
0xa2: {  	[spmem:s4] =	stream.indirect.scatter.add.f32 [tilespmem:s1], [sflag:$0x3], $0x1, s23, s2, $0xb8;
	[tilespmem:$0x1EB00] =	vst v63  }
0xa3: {  	_ =	swait.ge [sflag:s10], $0x4000  }
0xa4: {  	[sflag:s10] =	ssyncset.done $0x0  }
0xa5: {  	[sflag:s10] =	ssyncadd.s32 $0xFFFFC000  }
0xa6: {  	[spmem:s3] =	stream.indirect.scatter.add.f32 [tilespmem:s30], [sflag:$0x4], $0x80, s23, s2, $0xb8;
	[tilespmem:$0x1EB00] =	vst v63  }
0xa7: {  	_ =	swait.ge [sflag:s29], $0x4000  }
0xa8: {  	[sflag:s29] =	ssyncset.done $0x0  }
0xa9: {  	[sflag:s29] =	ssyncadd.s32 $0xFFFFC000  }
0xaa: {  	[tilespmem:s30], [sflag:$0x2] =	stream.indirect.gather [hbm4b:s0+s2], $0x80, s12, s2, $0xb8;
	[tilespmem:$0x1EB00] =	vst v63  }
0xab: {  	_ = 	snop  }
0xac: {  	[spmem:s4] =	stream.indirect.scatter.add.f32 [tilespmem:s1], [sflag:$0x3], $0x1, s14, s2, $0xb8;
	[tilespmem:$0x1EB00] =	vst v63  }
0xad: {  	_ =	swait.ge [sflag:s8], $0x4000  }
0xae: {  	[sflag:s8] =	ssyncset.done $0x0  }
0xaf: {  	[sflag:s8] =	ssyncadd.s32 $0xFFFFC000  }
0xb0: {  	[spmem:s3] =	stream.indirect.scatter.add.f32 [tilespmem:s28], [sflag:$0x4], $0x80, s14, s2, $0xb8;
	[tilespmem:$0x1EB00] =	vst v63  }
0xb1: {  	_ =	swait.ge [sflag:s29], $0x4000  }
0xb2: {  	[sflag:s29] =	ssyncset.done $0x0  }
0xb3: {  	[sflag:s29] =	ssyncadd.s32 $0xFFFFC000  }
0xb4: {  	[spmem:s4] =	stream.indirect.scatter.add.f32 [tilespmem:s1], [sflag:$0x3], $0x1, s16, s2, $0xb8;
	[tilespmem:$0x1EB00] =	vst v63  }
0xb5: {  	_ =	swait.ge [sflag:s10], $0x4000  }
0xb6: {  	[sflag:s10] =	ssyncset.done $0x0  }
0xb7: {  	[sflag:s10] =	ssyncadd.s32 $0xFFFFC000  }
0xb8: {  	[spmem:s3] =	stream.indirect.scatter.add.f32 [tilespmem:s30], [sflag:$0x4], $0x80, s16, s2, $0xb8;
	[tilespmem:$0x1EB00] =	vst v63  }
0xb9: {  	_ =	swait.ge [sflag:s29], $0x4000  }
0xba: {  	[sflag:s29] =	ssyncset.done $0x0  }
0xbb: {  	[sflag:s29] =	ssyncadd.s32 $0xFFFFC000  }
0xbc: {  	_ =	swait.ge [sflag:s17], $0x80  }
0xbd: {  	s18 =	simm.s32 $0x27;
	[sflag:s17] =	ssyncset.done $0x0  }
.LBB2_6:
0xbe: {  	p0 =	sne.s32 s18, $0x1;
	s18 =	sadd.s32 $0xFFFFFFFF, s18;
	[sflag:s17] =	ssyncadd.s32 $0xFFFFFF80  }
.Ltmp2:
0xbf: {  	(pc) =	sbr.rel @p0 .LBB2_6-.Ltmp2, $3  }
0xc0: {  	_ =	sdelay $0x1  }
0xc1: {  	_ =	swait.ge [sflag:s17], $0x80  }
0xc2: {  	[sflag:s17] =	ssyncset.done $0x0  }
0xc3: {  	[sflag:s17] =	ssyncadd.s32 $0xFFFFFF80;
	s18 =	simm.s32 $0x0  }
0xc4: {  	[tilespmem:s18], [sflag:$0x4] =	stream.linear.gather [hbm4b:s25+s18], $0x1400, $0x38;
	[tilespmem:$0x1EB00] =	vst v63  }
0xc5: {  	_ =	swait.ge [sflag:s29], $0x1400  }
0xc6: {  	[sflag:s29] =	ssyncset.done $0x0  }
0xc7: {  	[sflag:s29] =	ssyncadd.s32 $0xFFFFEC00  }
0xc8: {  	[tilespmem:s31], [sflag:$0x4] =	stream.linear.gather [hbm4b:s26+s18], $0x1400, $0x38;
	[tilespmem:$0x1EB00] =	vst v63  }
0xc9: {  	_ =	swait.ge [sflag:s29], $0x1400  }
0xca: {  	[sflag:s29] =	ssyncset.done $0x0  }
0xcb: {  	[sflag:s29] =	ssyncadd.s32 $0xFFFFEC00  }
0xcc: {  	[tilespmem:s28], [sflag:$0x1] =	stream.indirect.gather [hbm4b:s0+s2], $0x80, s18, s2, $0xb8;
	[tilespmem:$0x1EB00] =	vst v63  }
0xcd: {  	s19 =	simm.s32 $0x80  }
0xce: {  	[tilespmem:s30], [sflag:$0x2] =	stream.indirect.gather [hbm4b:s0+s2], $0x80, s19, s2, $0xb8;
	[tilespmem:$0x1EB00] =	vst v63  }
0xcf: {  	s20 =	simm.s32 $0x1400  }
0xd0: {  	[spmem:s4] =	stream.indirect.scatter.add.f32 [tilespmem:s1], [sflag:$0x3], $0x1, s20, s2, $0xb8;
	[tilespmem:$0x1EB00] =	vst v63  }
0xd1: {  	_ =	swait.ge [sflag:s8], $0x4000  }
0xd2: {  	[sflag:s8] =	ssyncset.done $0x0  }
0xd3: {  	[sflag:s8] =	ssyncadd.s32 $0xFFFFC000  }
0xd4: {  	[spmem:s3] =	stream.indirect.scatter.add.f32 [tilespmem:s28], [sflag:$0x4], $0x80, s20, s2, $0xb8;
	[tilespmem:$0x1EB00] =	vst v63  }
0xd5: {  	_ =	swait.ge [sflag:s29], $0x4000  }
0xd6: {  	[sflag:s29] =	ssyncset.done $0x0  }
0xd7: {  	s22 =	simm.s32 $0x100;
	[sflag:s29] =	ssyncadd.s32 $0xFFFFC000  }
0xd8: {  	[tilespmem:s28], [sflag:$0x1] =	stream.indirect.gather [hbm4b:s0+s2], $0x80, s22, s2, $0xb8;
	[tilespmem:$0x1EB00] =	vst v63  }
0xd9: {  	s23 =	simm.s32 $0x1480  }
0xda: {  	[spmem:s4] =	stream.indirect.scatter.add.f32 [tilespmem:s1], [sflag:$0x3], $0x1, s23, s2, $0xb8;
	[tilespmem:$0x1EB00] =	vst v63  }
0xdb: {  	_ =	swait.ge [sflag:s10], $0x4000  }
0xdc: {  	[sflag:s10] =	ssyncset.done $0x0  }
0xdd: {  	[sflag:s10] =	ssyncadd.s32 $0xFFFFC000  }
0xde: {  	[spmem:s3] =	stream.indirect.scatter.add.f32 [tilespmem:s30], [sflag:$0x4], $0x80, s23, s2, $0xb8;
	[tilespmem:$0x1EB00] =	vst v63  }
0xdf: {  	_ =	swait.ge [sflag:s29], $0x4000  }
0xe0: {  	s18 =	simm.s32 $0x100;
	s19 =	simm.s32 $0x800;
	[sflag:s29] =	ssyncset.done $0x0  }
.LBB2_8:
0xe1: {  	s20 =	sadd.s32 $0x80, s18  }
0xe2: {  	[sflag:s29] =	ssyncadd.s32 $0xFFFFC000;
	s22 =	smov.u32 s19;
	s23 =	sadd.s32 $0x400, s19  }
0xe3: {  	[tilespmem:s30], [sflag:$0x2] =	stream.indirect.gather [hbm4b:s0+s2], $0x80, s20, s2, $0xb8;
	[tilespmem:$0x1EB00] =	vst v63  }
0xe4: {  	p0 =	sne.s32 s19, $0x4800;
	s19 =	sadd.s32 $0x1400, s18  }
0xe5: {  	[spmem:s4] =	stream.indirect.scatter.add.f32 [tilespmem:s1], [sflag:$0x3], $0x1, s19, s2, $0xb8;
	[tilespmem:$0x1EB00] =	vst v63  }
0xe6: {  	_ =	swait.ge [sflag:s8], $0x4000  }
0xe7: {  	[sflag:s8] =	ssyncset.done $0x0  }
0xe8: {  	[sflag:s8] =	ssyncadd.s32 $0xFFFFC000  }
0xe9: {  	[spmem:s3] =	stream.indirect.scatter.add.f32 [tilespmem:s28], [sflag:$0x4], $0x80, s19, s2, $0xb8;
	[tilespmem:$0x1EB00] =	vst v63  }
0xea: {  	_ =	swait.ge [sflag:s29], $0x4000  }
0xeb: {  	[sflag:s29] =	ssyncset.done $0x0  }
0xec: {  	s19 =	sadd.s32 $0x100, s18;
	[sflag:s29] =	ssyncadd.s32 $0xFFFFC000  }
0xed: {  	[tilespmem:s28], [sflag:$0x1] =	stream.indirect.gather [hbm4b:s0+s2], $0x80, s19, s2, $0xb8;
	[tilespmem:$0x1EB00] =	vst v63  }
0xee: {  	s18 =	sadd.s32 $0x1480, s18  }
0xef: {  	[spmem:s4] =	stream.indirect.scatter.add.f32 [tilespmem:s1], [sflag:$0x3], $0x1, s18, s2, $0xb8;
	[tilespmem:$0x1EB00] =	vst v63  }
0xf0: {  	_ =	swait.ge [sflag:s10], $0x4000  }
.Ltmp3:
0xf1: {  	[sflag:s10] =	ssyncset.done $0x0;
	(pc) =	sbr.rel @p0 .LBB2_8-.Ltmp3, $4  }
0xf2: {  	[sflag:s10] =	ssyncadd.s32 $0xFFFFC000  }
0xf3: {  	[spmem:s3] =	stream.indirect.scatter.add.f32 [tilespmem:s30], [sflag:$0x4], $0x80, s18, s2, $0xb8;
	[tilespmem:$0x1EB00] =	vst v63  }
0xf4: {  	_ =	swait.ge [sflag:s29], $0x4000  }
0xf5: {  	s19 =	smov.u32 s23;
	s18 =	sshra.s32 s22, $0x2;
	[sflag:s29] =	ssyncset.done $0x0  }
0xf6: {  	s19 =	sadd.s32 $0x80, s18;
	[sflag:s29] =	ssyncadd.s32 $0xFFFFC000  }
0xf7: {  	[tilespmem:s30], [sflag:$0x2] =	stream.indirect.gather [hbm4b:s0+s2], $0x80, s19, s2, $0xb8;
	[tilespmem:$0x1EB00] =	vst v63  }
0xf8: {  	s20 =	sadd.s32 $0x1400, s18  }
0xf9: {  	[spmem:s4] =	stream.indirect.scatter.add.f32 [tilespmem:s1], [sflag:$0x3], $0x1, s20, s2, $0xb8;
	[tilespmem:$0x1EB00] =	vst v63  }
0xfa: {  	_ =	swait.ge [sflag:s8], $0x4000  }
0xfb: {  	[sflag:s8] =	ssyncset.done $0x0  }
0xfc: {  	[sflag:s8] =	ssyncadd.s32 $0xFFFFC000  }
0xfd: {  	[spmem:s3] =	stream.indirect.scatter.add.f32 [tilespmem:s28], [sflag:$0x4], $0x80, s20, s2, $0xb8;
	[tilespmem:$0x1EB00] =	vst v63  }
0xfe: {  	_ =	swait.ge [sflag:s29], $0x4000  }
0xff: {  	[sflag:s29] =	ssyncset.done $0x0  }
0x100: {  	s22 =	sadd.s32 $0x100, s18;
	[sflag:s29] =	ssyncadd.s32 $0xFFFFC000  }
0x101: {  	[tilespmem:s28], [sflag:$0x1] =	stream.indirect.gather [hbm4b:s0+s2], $0x80, s22, s2, $0xb8;
	[tilespmem:$0x1EB00] =	vst v63  }
0x102: {  	s23 =	sadd.s32 $0x1480, s18  }
0x103: {  	[spmem:s4] =	stream.indirect.scatter.add.f32 [tilespmem:s1], [sflag:$0x3], $0x1, s23, s2, $0xb8;
	[tilespmem:$0x1EB00] =	vst v63  }
0x104: {  	_ =	swait.ge [sflag:s10], $0x4000  }
0x105: {  	[sflag:s10] =	ssyncset.done $0x0  }
0x106: {  	[sflag:s10] =	ssyncadd.s32 $0xFFFFC000  }
0x107: {  	[spmem:s3] =	stream.indirect.scatter.add.f32 [tilespmem:s30], [sflag:$0x4], $0x80, s23, s2, $0xb8;
	[tilespmem:$0x1EB00] =	vst v63  }
0x108: {  	_ =	swait.ge [sflag:s29], $0x4000  }
0x109: {  	[sflag:s29] =	ssyncset.done $0x0  }
0x10a: {  	[sflag:s29] =	ssyncadd.s32 $0xFFFFC000  }
0x10b: {  	[tilespmem:s30], [sflag:$0x2] =	stream.indirect.gather [hbm4b:s0+s2], $0x80, s12, s2, $0xb8;
	[tilespmem:$0x1EB00] =	vst v63  }
0x10c: {  	_ = 	snop  }
0x10d: {  	[spmem:s4] =	stream.indirect.scatter.add.f32 [tilespmem:s1], [sflag:$0x3], $0x1, s14, s2, $0xb8;
	[tilespmem:$0x1EB00] =	vst v63  }
0x10e: {  	_ =	swait.ge [sflag:s8], $0x4000  }
0x10f: {  	[sflag:s8] =	ssyncset.done $0x0  }
0x110: {  	[sflag:s8] =	ssyncadd.s32 $0xFFFFC000  }
0x111: {  	[spmem:s3] =	stream.indirect.scatter.add.f32 [tilespmem:s28], [sflag:$0x4], $0x80, s14, s2, $0xb8;
	[tilespmem:$0x1EB00] =	vst v63  }
0x112: {  	_ =	swait.ge [sflag:s29], $0x4000  }
0x113: {  	[sflag:s29] =	ssyncset.done $0x0  }
0x114: {  	[sflag:s29] =	ssyncadd.s32 $0xFFFFC000  }
0x115: {  	[spmem:s4] =	stream.indirect.scatter.add.f32 [tilespmem:s1], [sflag:$0x3], $0x1, s16, s2, $0xb8;
	[tilespmem:$0x1EB00] =	vst v63  }
0x116: {  	_ =	swait.ge [sflag:s10], $0x4000  }
0x117: {  	[sflag:s10] =	ssyncset.done $0x0  }
0x118: {  	[sflag:s10] =	ssyncadd.s32 $0xFFFFC000  }
0x119: {  	[spmem:s3] =	stream.indirect.scatter.add.f32 [tilespmem:s30], [sflag:$0x4], $0x80, s16, s2, $0xb8;
	[tilespmem:$0x1EB00] =	vst v63  }
0x11a: {  	_ =	swait.ge [sflag:s29], $0x4000  }
0x11b: {  	[sflag:s29] =	ssyncset.done $0x0  }
0x11c: {  	[sflag:s29] =	ssyncadd.s32 $0xFFFFC000  }
0x11d: {  	_ =	swait.ge [sflag:s17], $0x80  }
0x11e: {  	s18 =	simm.s32 $0x27;
	[sflag:s17] =	ssyncset.done $0x0  }
.LBB2_10:
0x11f: {  	p0 =	sne.s32 s18, $0x1;
	s18 =	sadd.s32 $0xFFFFFFFF, s18;
	[sflag:s17] =	ssyncadd.s32 $0xFFFFFF80  }
.Ltmp4:
0x120: {  	(pc) =	sbr.rel @p0 .LBB2_10-.Ltmp4, $3  }
0x121: {  	_ =	sdelay $0x1  }
0x122: {  	_ =	swait.ge [sflag:s17], $0x80  }
0x123: {  	[sflag:s17] =	ssyncset.done $0x0  }
0x124: {  	[sflag:s17] =	ssyncadd.s32 $0xFFFFFF80;
	s18 =	stileid.u32  }
0x125: {  	s18 =	sshll.u32 s18, $0x6;
	[bflag:$0x0] =	sbarrier.arrive $0xFFFF  }
0x126: {  	s20 =	sshrl.u32 s7, $0x3;
	s19 =	sor.u32 $0x1C03, s18;
	s22 =	rddreg [dreg:$0xa]  }
0x127: {  	[hbm:s22], [sflag:s19] =	dma.local [spmem:s20], $0x10  }
0x128: {  	s23 =	sshrl.u32 s9, $0x3;
	s22 =	rddreg [dreg:$0xb]  }
0x129: {  	[hbm:s22], [sflag:s19] =	dma.local [spmem:s23], $0x10  }
0x12a: {  	s23 =	sshrl.u32 s11, $0x3;
	s22 =	rddreg [dreg:$0xc]  }
0x12b: {  	[hbm:s22], [sflag:s19] =	dma.local [spmem:s23], $0x10  }
0x12c: {  	s23 =	sshrl.u32 s13, $0x3;
	s22 =	rddreg [dreg:$0xd]  }
0x12d: {  	[hbm:s22], [sflag:s19] =	dma.local [spmem:s23], $0x10  }
0x12e: {  	s23 =	sshrl.u32 s15, $0x3;
	s22 =	rddreg [dreg:$0xe]  }
0x12f: {  	[hbm:s22], [sflag:s19] =	dma.local [spmem:s23], $0x10  }
0x130: {  	s18 =	sor.u32 $0x1C04, s18;
	s22 =	sshrl.u32 s6, $0x3;
	s20 =	rddreg [dreg:$0xf]  }
0x131: {  	[hbm:s20], [sflag:s18] =	dma.local [spmem:s22], $0x2800  }
0x132: {  	_ =	swait.ge [sflag:s29], $0x2800  }
0x133: {  	[sflag:s29] =	ssyncset.done $0x0  }
0x134: {  	[sflag:s29] =	ssyncadd.s32 $0xFFFFD800  }
0x135: {  	_ =	swait.ge [sflag:s17], $0x10  }
0x136: {  	[sflag:s17] =	ssyncset.done $0x0  }
0x137: {  	[sflag:s17] =	ssyncadd.s32 $0xFFFFFFF0  }
0x138: {  	_ =	swait.ge [sflag:s17], $0x10  }
0x139: {  	[sflag:s17] =	ssyncset.done $0x0  }
0x13a: {  	[sflag:s17] =	ssyncadd.s32 $0xFFFFFFF0  }
0x13b: {  	_ =	swait.ge [sflag:s17], $0x10  }
0x13c: {  	[sflag:s17] =	ssyncset.done $0x0  }
0x13d: {  	[sflag:s17] =	ssyncadd.s32 $0xFFFFFFF0  }
0x13e: {  	_ =	swait.ge [sflag:s17], $0x10  }
0x13f: {  	[sflag:s17] =	ssyncset.done $0x0  }
0x140: {  	[sflag:s17] =	ssyncadd.s32 $0xFFFFFFF0  }
0x141: {  	_ =	swait.ge [sflag:s17], $0x10  }
0x142: {  	s5 =	sadd.s32 $0x1, s5;
	s23 =	rddreg [dreg:$0x10]  }
0x143: {  	p0 =	sne.s32 s5, s23  }
.Ltmp5:
0x144: {  	_ = 	snop;
	(pc) =	sbr.rel @p0 .LBB2_1-.Ltmp5, $3  }
0x145: {  	_ =	sdelay $0x1  }
0x146: {  	[sflag:s17] =	ssyncset.done $0x0  }
0x147: {  	[sflag:s17] =	ssyncadd.s32 $0xFFFFFFF0  }
0x148: {  	_ =	sfence.sel $0x180000  }
0x149: {  	[bflag:$0x0] =	sbarrier.arrive $0xFFFF  }
0x14a: {  	_ =	strace $0x90000047  }
0x14b: {  	s0 =	stileid.u32;
	[bflag:$0x2] =	sbarrier.arrive $0xFFFF  }
0x14c: {  	p0 =	sne.s32 s0, $0x0;
	s0 =	rddreg [dreg:$0x5]  }
0x14d: {  	s0 =	sadd.s32 @!p0 $0x100000, s0  }
0x14e: {  	[sflag:s0] =	ssyncadd.tile.s32 @!p0 $0x1;
	_ =	shalt  }
.Lfunc_end2:
_tile_overlayer_lowered:
.L_overlay_start_2:
0x14f: {  	(tag) =	ssettag $0x2  }
0x150: {  	s0 =	rddreg [dreg:$0x0];
	s2 =	stileid.u32  }
0x151: {  	s1 =	rddreg [dreg:$0x1];
	p0 =	sne.s32 s2, $0x0  }
0x152: {  	s3 =	rddreg [dreg:$0x2];
	[bflag:$0x3] =	sbarrier.arrive $0xFFFF;
	s2 =	simm.s32 @!p0 $0x1C04  }
0x153: {  	[timem:s3], [sflag:s2] =	dma.local @!p0 [hbm:s0], s1  }
0x154: {  	s0 =	simm.s32 @!p0 $0x4  }
0x155: {  	_ =	swait.ge @!p0 [sflag:s0], s1  }
0x156: {  	s1 =	ssub.s32 @!p0 $0x0, s1;
	[sflag:s0] =	ssyncset.done @!p0 $0x0  }
0x157: {  	[sflag:s0] =	ssyncadd.s32 @!p0 s1  }
0x158: {  	[bflag:$0x3] =	sbarrier.arrive $0xFFFF  }
0x159: {  	_ =	shalt  }

</sc_bundles>
